<compile_context>
chip_gen: v7x
topology: tpu7x:2x2x1
jax: 0.10.2.dev20260603
libtpu: 0.0.44.dev20260713+nightly
codegen_flags: <defaults>
</compile_context>

<pallas_src>
import functools

import jax
import jax.numpy as jnp
from jax import lax
from jax.experimental import pallas as pl
from jax.experimental.pallas import tpu as pltpu
from jax.experimental.pallas import tpu_sc as plsc

L = 16
NS = 16
N_ITERS = 50



def _tc_util_body(w_ref, b_ref, feats_ref, util_ref, m_ref):
    f = feats_ref[...]
    w = w_ref[...]
    u = lax.dot_general(w, f, (((1,), (1,)), ((), ())),
                        preferred_element_type=jnp.float32)
    u = u + b_ref[0]
    u = jnp.clip(u, -100.0, -1e-06)
    util_ref[...] = u[None]
    m_ref[...] = jnp.exp(u)[None]


def _tc_util(feats, W, b):
    E, F = feats.shape
    BE = 16000
    NB = E // BE
    return pl.pallas_call(
        _tc_util_body,
        grid=(NB,),
        in_specs=[
            pl.BlockSpec((1, F), lambda i: (0, 0)),
            pl.BlockSpec(memory_space=pltpu.SMEM),
            pl.BlockSpec((BE, F), lambda i: (i, 0)),
        ],
        out_specs=[
            pl.BlockSpec((1, 1, BE), lambda i: (i, 0, 0)),
            pl.BlockSpec((1, 1, BE), lambda i: (i, 0, 0)),
        ],
        out_shape=[
            jax.ShapeDtypeStruct((NB, 1, BE), jnp.float32),
            jax.ShapeDtypeStruct((NB, 1, BE), jnp.float32),
        ],
    )(W, b, feats)



def _tc_log_body(z_ref, v_ref):
    v_ref[...] = jnp.log(jnp.maximum(z_ref[...], 1e-30))


def _tc_log(z2d):
    return pl.pallas_call(
        _tc_log_body,
        out_shape=jax.ShapeDtypeStruct(z2d.shape, jnp.float32),
    )(z2d)



def _sc_body(NP, EPW, m_hbm, src_hbm, dst_hbm, bv_hbm, z_hbm, prob_hbm,
             m_v, pk_v, dst_v, z_v, z2_v, bv_v, part_v, red_v, zs_v,
             sp_part, sp_z):
    SL = NP // NS
    sid = lax.axis_index("s")
    base = sid * EPW

    pltpu.sync_copy(m_hbm.at[pl.ds(base, EPW)], m_v)
    pltpu.sync_copy(src_hbm.at[pl.ds(base, EPW)], pk_v)
    pltpu.sync_copy(dst_hbm.at[pl.ds(base, EPW)], dst_v)
    pltpu.sync_copy(bv_hbm, bv_v)
    pltpu.sync_copy(bv_hbm, z_v)

    @plsc.parallel_loop(0, EPW, L, unroll=8)
    def _(off):
        s = pk_v[pl.ds(off, L)]
        d = dst_v[pl.ds(off, L)]
        pk_v[pl.ds(off, L)] = lax.bitwise_or(lax.shift_left(s, 16), d)

    zero = jnp.zeros((L,), jnp.float32)

    def one_iter(z_src, z_dst):
        @plsc.parallel_loop(0, NP, L, unroll=8)
        def _(off):
            part_v[pl.ds(off, L)] = zero

        @plsc.parallel_loop(0, EPW, L, unroll=10)
        def _(off):
            pk = pk_v[pl.ds(off, L)]
            d = lax.bitwise_and(pk, 0xFFFF)
            s = lax.shift_right_logical(pk, 16)
            zg = plsc.load_gather(z_src, [d])
            msg = m_v[pl.ds(off, L)] * zg
            plsc.addupdate_scatter(part_v, [s], msg)

        pltpu.sync_copy(part_v, sp_part.at[sid])
        plsc.subcore_barrier()
        pltpu.sync_copy(sp_part.at[:, pl.ds(sid * SL, SL)], red_v)

        @plsc.parallel_loop(0, SL, L, unroll=4)
        def _(i):
            acc = bv_v[pl.ds(sid * SL + i, L)]
            for j in range(NS):
                acc = acc + red_v[j, pl.ds(i, L)]
            zs_v[pl.ds(i, L)] = acc

        pltpu.sync_copy(zs_v, sp_z.at[pl.ds(sid * SL, SL)])
        plsc.subcore_barrier()
        pltpu.sync_copy(sp_z, z_dst)

    def iter_cond(carry):
        t, conv = carry
        return jnp.logical_and(t < N_ITERS, conv == 0)

    def iter_body(carry):
        t, conv = carry
        one_iter(z_v, z2_v)
        one_iter(z2_v, z_v)

        def neq_body(i, acc):
            return acc + (z_v[pl.ds(i * L, L)] != z2_v[pl.ds(i * L, L)]
                          ).astype(jnp.float32)

        neq = lax.fori_loop(0, NP // L, neq_body, jnp.zeros((L,), jnp.float32))
        nz = jnp.max(neq)
        conv = jnp.where(nz == 0.0, 1, 0).astype(jnp.int32)
        return t + 2, conv

    lax.while_loop(iter_cond, iter_body, (jnp.int32(0), jnp.int32(0)))

    @plsc.parallel_loop(0, NP, L, unroll=8)
    def _(off):
        z_v[pl.ds(off, L)] = jnp.maximum(z_v[pl.ds(off, L)], 1e-30)
    pltpu.sync_copy(z_v.at[pl.ds(sid * SL, SL)], z_hbm.at[pl.ds(sid * SL, SL)])

    @plsc.parallel_loop(0, EPW, L, unroll=8)
    def _(off):
        pk = pk_v[pl.ds(off, L)]
        d = lax.bitwise_and(pk, 0xFFFF)
        s = lax.shift_right_logical(pk, 16)
        zd = plsc.load_gather(z_v, [d])
        zs = plsc.load_gather(z_v, [s])
        m_v[pl.ds(off, L)] = m_v[pl.ds(off, L)] * zd / zs
    pltpu.sync_copy(m_v, prob_hbm.at[pl.ds(base, EPW)])


def _sc_fixed_point(m, src, dst, bfull):
    E, = m.shape
    NP, = bfull.shape
    EPW = E // NS
    SL = NP // NS
    mesh = plsc.VectorSubcoreMesh(core_axis_name="c", subcore_axis_name="s",
                                  num_cores=1)
    f = pl.kernel(
        functools.partial(_sc_body, NP, EPW),
        out_type=[
            jax.ShapeDtypeStruct((NP,), jnp.float32),
            jax.ShapeDtypeStruct((E,), jnp.float32),
        ],
        mesh=mesh,
        compiler_params=pltpu.CompilerParams(needs_layout_passes=False),
        scratch_types=[
            pltpu.VMEM((EPW,), jnp.float32),
            pltpu.VMEM((EPW,), jnp.int32),
            pltpu.VMEM((EPW,), jnp.int32),
            pltpu.VMEM((NP,), jnp.float32),
            pltpu.VMEM((NP,), jnp.float32),
            pltpu.VMEM((NP,), jnp.float32),
            pltpu.VMEM((NP,), jnp.float32),
            pltpu.VMEM((NS, SL), jnp.float32),
            pltpu.VMEM((SL,), jnp.float32),
            pltpu.VMEM_SHARED((NS, NP), jnp.float32),
            pltpu.VMEM_SHARED((NP,), jnp.float32),
        ],
    )
    return f(m, src, dst, bfull)



def kernel(feats, dest_mask, edge_index, batch, n_nodes, W, b):
    E, F = feats.shape
    N = dest_mask.shape[0]
    NP = ((N + NS * L - 1) // (NS * L)) * (NS * L)
    if NP % 128 != 0:
        NP = ((NP + 127) // 128) * 128

    util2, m2 = _tc_util(feats, W, b)
    util = util2.reshape(E, 1)
    m = m2.reshape(E)

    src = edge_index[0]
    dst = edge_index[1]
    bfull = jnp.zeros((NP,), jnp.float32).at[:N].set(
        dest_mask.astype(jnp.float32))

    zc, prob = _sc_fixed_point(m, src, dst, bfull)

    value = _tc_log(zc.reshape(NP // 128, 128)).reshape(NP)[:N]
    return value, util, prob

# --- scband reference (transcript-rebuilt; emitter-appended) ---
"""Pipeline reference for scband-recursive-logit-73985106641248 (READ-ONLY COPY).

The authoritative reference and input builder live on the scoring server;
editing this copy changes nothing except your own understanding.
"""

import jax, jax.numpy as jnp
import numpy as np

N_NODES = 10000
N_EDGES = 320000
N_FEATS = 128
N_ITERS = 50  # fixed-point solver iterations


def setup_inputs(seed: int = 0) -> dict:
    key = jax.random.key(seed)
    k1, k2, k3, k4 = jax.random.split(key, 4)
    # per-edge link features (recursive logit utilities live on edges)
    feats = jax.random.uniform(k1, (N_EDGES, N_FEATS), dtype=jnp.float32)
    dest_mask = jax.random.randint(k2, (N_NODES,), 0, 2, dtype=jnp.int32) > 0
    edge_index = jax.random.randint(k3, (2, N_EDGES), 0, N_NODES, dtype=jnp.int32)
    batch = jnp.sort(jax.random.randint(k4, (N_NODES,), 0, 16, dtype=jnp.int32))
    # learned params: Linear(n_feats, 1, bias=True), init constant -1.0
    W = -jnp.ones((1, N_FEATS), dtype=jnp.float32)
    b = -jnp.ones((1,), dtype=jnp.float32)
    return {"feats": feats, "dest_mask": dest_mask, "edge_index": edge_index,
            "batch": batch, "n_nodes": N_NODES, "W": W, "b": b}


def reference(feats, dest_mask, edge_index, batch, n_nodes, W, b):
    # self.coeffs(feats).clamp(min=-100, max=-1e-06)
    util = jnp.clip(feats @ W.T + b, -100.0, -1e-06)  # [E, 1]
    src = edge_index[0]
    dst = edge_index[1]
    m = jnp.exp(util[:, 0])  # [E] edge transition weights exp(u)
    num_segments = dest_mask.shape[0]
    b_vec = dest_mask.astype(jnp.float32) + 0.0 * n_nodes  # [N] absorbing destination indicator
    # FixedPointSolver: z = M z + b, M_{ij} = exp(u_{ij}) on edge i->j, b_i = 1[dest]
    def body(i, z):
        msg = m * z[dst]                       # gather z at dst, scale by exp(util)
        return jax.ops.segment_sum(msg, src, num_segments=num_segments) + b_vec
    z = jax.lax.fori_loop(0, N_ITERS, body, b_vec)
    value = jnp.log(jnp.maximum(z, 1e-30))     # V = log z
    # EdgeProb: P(e) = exp(u_e + V_dst - V_src)
    prob = jnp.exp(util[:, 0] + value[dst] - value[src])
    return value, util, prob

if __name__ == "__main__":
    import jax
    _d = setup_inputs()
    print(jax.jit(kernel)(*tuple(_d.values())))

</pallas_src>

<mosaic_0001>
#map = affine_map<(d0, d1) -> (0)>
module attributes {stable_mosaic.version = 14 : i64} {
  func.func @_sc_body(%arg0: i32, %arg1: i32, %arg2: memref<320000xf32, #tpu.memory_space<hbm>>, %arg3: memref<320000xi32, #tpu.memory_space<hbm>>, %arg4: memref<320000xi32, #tpu.memory_space<hbm>>, %arg5: memref<10240xf32, #tpu.memory_space<hbm>>, %arg6: memref<10240xf32, #tpu.memory_space<hbm>>, %arg7: memref<320000xf32, #tpu.memory_space<hbm>>, %arg8: memref<20000xf32, #tpu.memory_space<vmem>>, %arg9: memref<20000xi32, #tpu.memory_space<vmem>>, %arg10: memref<20000xi32, #tpu.memory_space<vmem>>, %arg11: memref<10240xf32, #tpu.memory_space<vmem>>, %arg12: memref<10240xf32, #tpu.memory_space<vmem>>, %arg13: memref<10240xf32, #tpu.memory_space<vmem>>, %arg14: memref<10240xf32, #tpu.memory_space<vmem>>, %arg15: memref<16x640xf32, #tpu.memory_space<vmem>>, %arg16: memref<640xf32, #tpu.memory_space<vmem>>, %arg17: memref<16x10240xf32, #tpu.memory_space<vmem_shared>>, %arg18: memref<10240xf32, #tpu.memory_space<vmem_shared>>) attributes {dimension_semantics = [#tpu.dimension_semantics<core_parallel>, #tpu.dimension_semantics<subcore_parallel>], iteration_bounds = array<i64: 1, 16>, scalar_prefetch = 0 : i64, scratch_operands = 11 : i64, tpu.core_type = #tpu.core_type<sc_vector_subcore>, window_params = [{transform_indices = #map}, {transform_indices = #map}, {transform_indices = #map}, {transform_indices = #map}, {transform_indices = #map}, {transform_indices = #map}]} {
    %mul3A = arith.constant 20000 : i32
    %mul3A_0 = arith.muli %arg1, %mul3A : i32
    "tpu.region"() ({
      %run_scoped3A = tpu.sem_alloc : memref<!tpu.dma_semaphore, #tpu.memory_space<semaphore_mem>>
      %dma_start3A = tpu.memref_slice %arg2[%mul3A_0] : memref<320000xf32, #tpu.memory_space<hbm>> -> memref<20000xf32, #tpu.memory_space<hbm>>
      %dma_start3A_16 = tpu.memref_slice %arg2[%mul3A_0] : memref<320000xf32, #tpu.memory_space<hbm>> -> memref<20000xf32, #tpu.memory_space<hbm>>
      tpu.enqueue_dma source(%dma_start3A_16 : memref<20000xf32, #tpu.memory_space<hbm>>) target(%arg8 : memref<20000xf32, #tpu.memory_space<vmem>>) target_semaphore(%run_scoped3A : memref<!tpu.dma_semaphore, #tpu.memory_space<semaphore_mem>>)
      %dma_wait3A = tpu.memref_slice %arg2[%mul3A_0] : memref<320000xf32, #tpu.memory_space<hbm>> -> memref<20000xf32, #tpu.memory_space<hbm>>
      %dma_wait3A_17 = tpu.memref_slice %arg2[%mul3A_0] : memref<320000xf32, #tpu.memory_space<hbm>> -> memref<20000xf32, #tpu.memory_space<hbm>>
      tpu.wait_dma2 semaphore(%run_scoped3A : memref<!tpu.dma_semaphore, #tpu.memory_space<semaphore_mem>>) src(%dma_wait3A_17 : memref<20000xf32, #tpu.memory_space<hbm>>) dst(%arg8 : memref<20000xf32, #tpu.memory_space<vmem>>)
      tpu.yield
    }) : () -> ()
    "tpu.region"() ({
      %run_scoped3A = tpu.sem_alloc : memref<!tpu.dma_semaphore, #tpu.memory_space<semaphore_mem>>
      %dma_start3A = tpu.memref_slice %arg3[%mul3A_0] : memref<320000xi32, #tpu.memory_space<hbm>> -> memref<20000xi32, #tpu.memory_space<hbm>>
      %dma_start3A_16 = tpu.memref_slice %arg3[%mul3A_0] : memref<320000xi32, #tpu.memory_space<hbm>> -> memref<20000xi32, #tpu.memory_space<hbm>>
      tpu.enqueue_dma source(%dma_start3A_16 : memref<20000xi32, #tpu.memory_space<hbm>>) target(%arg9 : memref<20000xi32, #tpu.memory_space<vmem>>) target_semaphore(%run_scoped3A : memref<!tpu.dma_semaphore, #tpu.memory_space<semaphore_mem>>)
      %dma_wait3A = tpu.memref_slice %arg3[%mul3A_0] : memref<320000xi32, #tpu.memory_space<hbm>> -> memref<20000xi32, #tpu.memory_space<hbm>>
      %dma_wait3A_17 = tpu.memref_slice %arg3[%mul3A_0] : memref<320000xi32, #tpu.memory_space<hbm>> -> memref<20000xi32, #tpu.memory_space<hbm>>
      tpu.wait_dma2 semaphore(%run_scoped3A : memref<!tpu.dma_semaphore, #tpu.memory_space<semaphore_mem>>) src(%dma_wait3A_17 : memref<20000xi32, #tpu.memory_space<hbm>>) dst(%arg9 : memref<20000xi32, #tpu.memory_space<vmem>>)
      tpu.yield
    }) : () -> ()
    "tpu.region"() ({
      %run_scoped3A = tpu.sem_alloc : memref<!tpu.dma_semaphore, #tpu.memory_space<semaphore_mem>>
      %dma_start3A = tpu.memref_slice %arg4[%mul3A_0] : memref<320000xi32, #tpu.memory_space<hbm>> -> memref<20000xi32, #tpu.memory_space<hbm>>
      %dma_start3A_16 = tpu.memref_slice %arg4[%mul3A_0] : memref<320000xi32, #tpu.memory_space<hbm>> -> memref<20000xi32, #tpu.memory_space<hbm>>
      tpu.enqueue_dma source(%dma_start3A_16 : memref<20000xi32, #tpu.memory_space<hbm>>) target(%arg10 : memref<20000xi32, #tpu.memory_space<vmem>>) target_semaphore(%run_scoped3A : memref<!tpu.dma_semaphore, #tpu.memory_space<semaphore_mem>>)
      %dma_wait3A = tpu.memref_slice %arg4[%mul3A_0] : memref<320000xi32, #tpu.memory_space<hbm>> -> memref<20000xi32, #tpu.memory_space<hbm>>
      %dma_wait3A_17 = tpu.memref_slice %arg4[%mul3A_0] : memref<320000xi32, #tpu.memory_space<hbm>> -> memref<20000xi32, #tpu.memory_space<hbm>>
      tpu.wait_dma2 semaphore(%run_scoped3A : memref<!tpu.dma_semaphore, #tpu.memory_space<semaphore_mem>>) src(%dma_wait3A_17 : memref<20000xi32, #tpu.memory_space<hbm>>) dst(%arg10 : memref<20000xi32, #tpu.memory_space<vmem>>)
      tpu.yield
    }) : () -> ()
    "tpu.region"() ({
      %run_scoped3A = tpu.sem_alloc : memref<!tpu.dma_semaphore, #tpu.memory_space<semaphore_mem>>
      tpu.enqueue_dma source(%arg5 : memref<10240xf32, #tpu.memory_space<hbm>>) target(%arg13 : memref<10240xf32, #tpu.memory_space<vmem>>) target_semaphore(%run_scoped3A : memref<!tpu.dma_semaphore, #tpu.memory_space<semaphore_mem>>)
      tpu.wait_dma2 semaphore(%run_scoped3A : memref<!tpu.dma_semaphore, #tpu.memory_space<semaphore_mem>>) src(%arg5 : memref<10240xf32, #tpu.memory_space<hbm>>) dst(%arg13 : memref<10240xf32, #tpu.memory_space<vmem>>)
      tpu.yield
    }) : () -> ()
    "tpu.region"() ({
      %run_scoped3A = tpu.sem_alloc : memref<!tpu.dma_semaphore, #tpu.memory_space<semaphore_mem>>
      tpu.enqueue_dma source(%arg5 : memref<10240xf32, #tpu.memory_space<hbm>>) target(%arg11 : memref<10240xf32, #tpu.memory_space<vmem>>) target_semaphore(%run_scoped3A : memref<!tpu.dma_semaphore, #tpu.memory_space<semaphore_mem>>)
      tpu.wait_dma2 semaphore(%run_scoped3A : memref<!tpu.dma_semaphore, #tpu.memory_space<semaphore_mem>>) src(%arg5 : memref<10240xf32, #tpu.memory_space<hbm>>) dst(%arg11 : memref<10240xf32, #tpu.memory_space<vmem>>)
      tpu.yield
    }) : () -> ()
    %parallel_loop3A = arith.constant 0 : i32
    %parallel_loop3A_1 = arith.constant 20000 : i32
    %parallel_loop3A_2 = arith.constant 16 : i32
    scf.for %parallel_loop3A_16 = %parallel_loop3A to %parallel_loop3A_1 step %parallel_loop3A_2  : i32 {
      %parallel_loop3A_17 = arith.index_cast %parallel_loop3A_16 : i32 to index
      %parallel_loop3A_18 = tpu.vector_load %arg9[%parallel_loop3A_17] {strides = array<i32>} : memref<20000xi32, #tpu.memory_space<vmem>>, vector<16xi32>,
      %parallel_loop3A_19 = arith.index_cast %parallel_loop3A_16 : i32 to index
      %parallel_loop3A_20 = tpu.vector_load %arg10[%parallel_loop3A_19] {strides = array<i32>} : memref<20000xi32, #tpu.memory_space<vmem>>, vector<16xi32>,
      %parallel_loop3A_21 = arith.constant 16 : i32
      %parallel_loop3A_22 = vector.broadcast %parallel_loop3A_21 : i32 to vector<16xi32>
      %parallel_loop3A_23 = arith.shli %parallel_loop3A_18, %parallel_loop3A_22 : vector<16xi32>
      %parallel_loop3A_24 = arith.ori %parallel_loop3A_23, %parallel_loop3A_20 : vector<16xi32>
      %parallel_loop3A_25 = arith.index_cast %parallel_loop3A_16 : i32 to index
      %parallel_loop3A_26 = tpu.vector_load %arg9[%parallel_loop3A_25] {strides = array<i32>} : memref<20000xi32, #tpu.memory_space<vmem>>, vector<16xi32>,
      tpu.vector_store %arg9[%parallel_loop3A_25], %parallel_loop3A_24 {strides = array<i32>} : memref<20000xi32, #tpu.memory_space<vmem>>, vector<16xi32>,
    } {sc.loop_unroll_factor = 8 : i64, sc.parallel_access}
    %broadcast_in_dim3A = arith.constant 0.000000e+00 : f32
    %broadcast_in_dim3A_3 = vector.broadcast %broadcast_in_dim3A : f32 to vector<16xf32>
    %while3A = arith.constant 0 : i32
    %while3A_4 = arith.constant 0 : i32
    %while3A_5:2 = scf.while (%while3A_16 = %while3A, %while3A_17 = %while3A_4) : (i32, i32) -> (i32, i32) {
      %lt3A = arith.constant 50 : i32
      %lt3A_18 = arith.cmpi slt, %while3A_16, %lt3A : i32
      %eq3A = arith.constant 0 : i32
      %eq3A_19 = arith.cmpi eq, %while3A_17, %eq3A : i32
      %and3A = arith.andi %lt3A_18, %eq3A_19 : i1
      scf.condition(%and3A) %while3A_16, %while3A_17 : i32, i32
    } do {
    ^bb0(%while3A_16: i32, %while3A_17: i32):
      %parallel_loop3A_18 = arith.constant 0 : i32
      %parallel_loop3A_19 = arith.constant 10240 : i32
      %parallel_loop3A_20 = arith.constant 16 : i32
      scf.for %parallel_loop3A_60 = %parallel_loop3A_18 to %parallel_loop3A_19 step %parallel_loop3A_20  : i32 {
        %parallel_loop3A_61 = arith.index_cast %parallel_loop3A_60 : i32 to index
        %parallel_loop3A_62 = tpu.vector_load %arg14[%parallel_loop3A_61] {strides = array<i32>} : memref<10240xf32, #tpu.memory_space<vmem>>, vector<16xf32>,
        tpu.vector_store %arg14[%parallel_loop3A_61], %broadcast_in_dim3A_3 {strides = array<i32>} : memref<10240xf32, #tpu.memory_space<vmem>>, vector<16xf32>,
      } {sc.loop_unroll_factor = 8 : i64, sc.parallel_access}
      %parallel_loop3A_21 = arith.constant 0 : i32
      %parallel_loop3A_22 = arith.constant 20000 : i32
      %parallel_loop3A_23 = arith.constant 16 : i32
      scf.for %parallel_loop3A_60 = %parallel_loop3A_21 to %parallel_loop3A_22 step %parallel_loop3A_23  : i32 {
        %parallel_loop3A_61 = arith.index_cast %parallel_loop3A_60 : i32 to index
        %parallel_loop3A_62 = tpu.vector_load %arg9[%parallel_loop3A_61] {strides = array<i32>} : memref<20000xi32, #tpu.memory_space<vmem>>, vector<16xi32>,
        %parallel_loop3A_63 = arith.constant 65535 : i32
        %parallel_loop3A_64 = vector.broadcast %parallel_loop3A_63 : i32 to vector<16xi32>
        %parallel_loop3A_65 = arith.andi %parallel_loop3A_62, %parallel_loop3A_64 : vector<16xi32>
        %parallel_loop3A_66 = arith.constant 16 : i32
        %parallel_loop3A_67 = vector.broadcast %parallel_loop3A_66 : i32 to vector<16xi32>
        %parallel_loop3A_68 = arith.shrui %parallel_loop3A_62, %parallel_loop3A_67 : vector<16xi32>
        %parallel_loop3A_69 = tpu.vector_load_idx %arg11[%parallel_loop3A_65] : memref<10240xf32, #tpu.memory_space<vmem>>[vector<16xi32>], vector<16xf32>,
        %parallel_loop3A_70 = arith.index_cast %parallel_loop3A_60 : i32 to index
        %parallel_loop3A_71 = tpu.vector_load %arg8[%parallel_loop3A_70] {strides = array<i32>} : memref<20000xf32, #tpu.memory_space<vmem>>, vector<16xf32>,
        %parallel_loop3A_72 = arith.mulf %parallel_loop3A_71, %parallel_loop3A_69 : vector<16xf32>
        tpu.vector_store_idx %arg14[%parallel_loop3A_68], %parallel_loop3A_72 {add = true} : memref<10240xf32, #tpu.memory_space<vmem>>[vector<16xi32>], vector<16xf32>,
      } {sc.loop_unroll_factor = 10 : i64, sc.parallel_access}
      "tpu.region"() ({
        %run_scoped3A = tpu.sem_alloc : memref<!tpu.dma_semaphore, #tpu.memory_space<semaphore_mem>>
        %dma_start3A = arith.constant 0 : i32
        %dma_start3A_60 = tpu.memref_slice %arg17[%arg1, %dma_start3A] : memref<16x10240xf32, #tpu.memory_space<vmem_shared>> -> memref<1x10240xf32, #tpu.memory_space<vmem_shared>>
        %dma_start3A_61 = tpu.memref_squeeze %dma_start3A_60 : memref<1x10240xf32, #tpu.memory_space<vmem_shared>> -> memref<10240xf32, #tpu.memory_space<vmem_shared>>
        %dma_start3A_62 = arith.constant 0 : i32
        %dma_start3A_63 = tpu.memref_slice %arg17[%arg1, %dma_start3A_62] : memref<16x10240xf32, #tpu.memory_space<vmem_shared>> -> memref<1x10240xf32, #tpu.memory_space<vmem_shared>>
        %dma_start3A_64 = tpu.memref_squeeze %dma_start3A_63 : memref<1x10240xf32, #tpu.memory_space<vmem_shared>> -> memref<10240xf32, #tpu.memory_space<vmem_shared>>
        tpu.enqueue_dma source(%arg14 : memref<10240xf32, #tpu.memory_space<vmem>>) target(%dma_start3A_64 : memref<10240xf32, #tpu.memory_space<vmem_shared>>) target_semaphore(%run_scoped3A : memref<!tpu.dma_semaphore, #tpu.memory_space<semaphore_mem>>)
        %dma_wait3A = arith.constant 0 : i32
        %dma_wait3A_65 = tpu.memref_slice %arg17[%arg1, %dma_wait3A] : memref<16x10240xf32, #tpu.memory_space<vmem_shared>> -> memref<1x10240xf32, #tpu.memory_space<vmem_shared>>
        %dma_wait3A_66 = tpu.memref_squeeze %dma_wait3A_65 : memref<1x10240xf32, #tpu.memory_space<vmem_shared>> -> memref<10240xf32, #tpu.memory_space<vmem_shared>>
        %dma_wait3A_67 = arith.constant 0 : i32
        %dma_wait3A_68 = tpu.memref_slice %arg17[%arg1, %dma_wait3A_67] : memref<16x10240xf32, #tpu.memory_space<vmem_shared>> -> memref<1x10240xf32, #tpu.memory_space<vmem_shared>>
        %dma_wait3A_69 = tpu.memref_squeeze %dma_wait3A_68 : memref<1x10240xf32, #tpu.memory_space<vmem_shared>> -> memref<10240xf32, #tpu.memory_space<vmem_shared>>
        tpu.wait_dma2 semaphore(%run_scoped3A : memref<!tpu.dma_semaphore, #tpu.memory_space<semaphore_mem>>) src(%arg14 : memref<10240xf32, #tpu.memory_space<vmem>>) dst(%dma_wait3A_69 : memref<10240xf32, #tpu.memory_space<vmem_shared>>)
        tpu.yield
      }) : () -> ()
      %barrier3A = arith.constant 0 : index
      tpu.barrier barrier_id(%barrier3A)
      %mul3A_24 = arith.constant 640 : i32
      %mul3A_25 = arith.muli %arg1, %mul3A_24 : i32
      "tpu.region"() ({
        %run_scoped3A = tpu.sem_alloc : memref<!tpu.dma_semaphore, #tpu.memory_space<semaphore_mem>>
        %dma_start3A = arith.constant 0 : i32
        %dma_start3A_60 = tpu.memref_slice %arg17[%dma_start3A, %mul3A_25] : memref<16x10240xf32, #tpu.memory_space<vmem_shared>> -> memref<16x640xf32, #tpu.memory_space<vmem_shared>>
        %dma_start3A_61 = arith.constant 0 : i32
        %dma_start3A_62 = tpu.memref_slice %arg17[%dma_start3A_61, %mul3A_25] : memref<16x10240xf32, #tpu.memory_space<vmem_shared>> -> memref<16x640xf32, #tpu.memory_space<vmem_shared>>
        tpu.enqueue_dma source(%dma_start3A_62 : memref<16x640xf32, #tpu.memory_space<vmem_shared>>) target(%arg15 : memref<16x640xf32, #tpu.memory_space<vmem>>) target_semaphore(%run_scoped3A : memref<!tpu.dma_semaphore, #tpu.memory_space<semaphore_mem>>)
        %dma_wait3A = arith.constant 0 : i32
        %dma_wait3A_63 = tpu.memref_slice %arg17[%dma_wait3A, %mul3A_25] : memref<16x10240xf32, #tpu.memory_space<vmem_shared>> -> memref<16x640xf32, #tpu.memory_space<vmem_shared>>
        %dma_wait3A_64 = arith.constant 0 : i32
        %dma_wait3A_65 = tpu.memref_slice %arg17[%dma_wait3A_64, %mul3A_25] : memref<16x10240xf32, #tpu.memory_space<vmem_shared>> -> memref<16x640xf32, #tpu.memory_space<vmem_shared>>
        tpu.wait_dma2 semaphore(%run_scoped3A : memref<!tpu.dma_semaphore, #tpu.memory_space<semaphore_mem>>) src(%dma_wait3A_65 : memref<16x640xf32, #tpu.memory_space<vmem_shared>>) dst(%arg15 : memref<16x640xf32, #tpu.memory_space<vmem>>)
        tpu.yield
      }) : () -> ()
      %parallel_loop3A_26 = arith.constant 0 : i32
      %parallel_loop3A_27 = arith.constant 640 : i32
      %parallel_loop3A_28 = arith.constant 16 : i32
      scf.for %parallel_loop3A_60 = %parallel_loop3A_26 to %parallel_loop3A_27 step %parallel_loop3A_28  : i32 {
        %parallel_loop3A_61 = arith.constant 640 : i32
        %parallel_loop3A_62 = arith.muli %arg1, %parallel_loop3A_61 : i32
        %parallel_loop3A_63 = arith.addi %parallel_loop3A_62, %parallel_loop3A_60 : i32
        %parallel_loop3A_64 = arith.index_cast %parallel_loop3A_63 : i32 to index
        %parallel_loop3A_65 = tpu.vector_load %arg13[%parallel_loop3A_64] {strides = array<i32>} : memref<10240xf32, #tpu.memory_space<vmem>>, vector<16xf32>,
        %parallel_loop3A_66 = arith.constant 0 : i32
        %parallel_loop3A_67 = arith.index_cast %parallel_loop3A_66 : i32 to index
        %parallel_loop3A_68 = arith.index_cast %parallel_loop3A_60 : i32 to index
        %parallel_loop3A_69 = tpu.vector_load %arg15[%parallel_loop3A_67, %parallel_loop3A_68] {strides = array<i32>} : memref<16x640xf32, #tpu.memory_space<vmem>>, vector<16xf32>,
        %parallel_loop3A_70 = arith.addf %parallel_loop3A_65, %parallel_loop3A_69 : vector<16xf32>
        %parallel_loop3A_71 = arith.constant 1 : i32
        %parallel_loop3A_72 = arith.index_cast %parallel_loop3A_71 : i32 to index
        %parallel_loop3A_73 = arith.index_cast %parallel_loop3A_60 : i32 to index
        %parallel_loop3A_74 = tpu.vector_load %arg15[%parallel_loop3A_72, %parallel_loop3A_73] {strides = array<i32>} : memref<16x640xf32, #tpu.memory_space<vmem>>, vector<16xf32>,
        %parallel_loop3A_75 = arith.addf %parallel_loop3A_70, %parallel_loop3A_74 : vector<16xf32>
        %parallel_loop3A_76 = arith.constant 2 : i32
        %parallel_loop3A_77 = arith.index_cast %parallel_loop3A_76 : i32 to index
        %parallel_loop3A_78 = arith.index_cast %parallel_loop3A_60 : i32 to index
        %parallel_loop3A_79 = tpu.vector_load %arg15[%parallel_loop3A_77, %parallel_loop3A_78] {strides = array<i32>} : memref<16x640xf32, #tpu.memory_space<vmem>>, vector<16xf32>,
        %parallel_loop3A_80 = arith.addf %parallel_loop3A_75, %parallel_loop3A_79 : vector<16xf32>
        %parallel_loop3A_81 = arith.constant 3 : i32
        %parallel_loop3A_82 = arith.index_cast %parallel_loop3A_81 : i32 to index
        %parallel_loop3A_83 = arith.index_cast %parallel_loop3A_60 : i32 to index
        %parallel_loop3A_84 = tpu.vector_load %arg15[%parallel_loop3A_82, %parallel_loop3A_83] {strides = array<i32>} : memref<16x640xf32, #tpu.memory_space<vmem>>, vector<16xf32>,
        %parallel_loop3A_85 = arith.addf %parallel_loop3A_80, %parallel_loop3A_84 : vector<16xf32>
        %parallel_loop3A_86 = arith.constant 4 : i32
        %parallel_loop3A_87 = arith.index_cast %parallel_loop3A_86 : i32 to index
        %parallel_loop3A_88 = arith.index_cast %parallel_loop3A_60 : i32 to index
        %parallel_loop3A_89 = tpu.vector_load %arg15[%parallel_loop3A_87, %parallel_loop3A_88] {strides = array<i32>} : memref<16x640xf32, #tpu.memory_space<vmem>>, vector<16xf32>,
        %parallel_loop3A_90 = arith.addf %parallel_loop3A_85, %parallel_loop3A_89 : vector<16xf32>
        %parallel_loop3A_91 = arith.constant 5 : i32
        %parallel_loop3A_92 = arith.index_cast %parallel_loop3A_91 : i32 to index
        %parallel_loop3A_93 = arith.index_cast %parallel_loop3A_60 : i32 to index
        %parallel_loop3A_94 = tpu.vector_load %arg15[%parallel_loop3A_92, %parallel_loop3A_93] {strides = array<i32>} : memref<16x640xf32, #tpu.memory_space<vmem>>, vector<16xf32>,
        %parallel_loop3A_95 = arith.addf %parallel_loop3A_90, %parallel_loop3A_94 : vector<16xf32>
        %parallel_loop3A_96 = arith.constant 6 : i32
        %parallel_loop3A_97 = arith.index_cast %parallel_loop3A_96 : i32 to index
        %parallel_loop3A_98 = arith.index_cast %parallel_loop3A_60 : i32 to index
        %parallel_loop3A_99 = tpu.vector_load %arg15[%parallel_loop3A_97, %parallel_loop3A_98] {strides = array<i32>} : memref<16x640xf32, #tpu.memory_space<vmem>>, vector<16xf32>,
        %parallel_loop3A_100 = arith.addf %parallel_loop3A_95, %parallel_loop3A_99 : vector<16xf32>
        %parallel_loop3A_101 = arith.constant 7 : i32
        %parallel_loop3A_102 = arith.index_cast %parallel_loop3A_101 : i32 to index
        %parallel_loop3A_103 = arith.index_cast %parallel_loop3A_60 : i32 to index
        %parallel_loop3A_104 = tpu.vector_load %arg15[%parallel_loop3A_102, %parallel_loop3A_103] {strides = array<i32>} : memref<16x640xf32, #tpu.memory_space<vmem>>, vector<16xf32>,
        %parallel_loop3A_105 = arith.addf %parallel_loop3A_100, %parallel_loop3A_104 : vector<16xf32>
        %parallel_loop3A_106 = arith.constant 8 : i32
        %parallel_loop3A_107 = arith.index_cast %parallel_loop3A_106 : i32 to index
        %parallel_loop3A_108 = arith.index_cast %parallel_loop3A_60 : i32 to index
        %parallel_loop3A_109 = tpu.vector_load %arg15[%parallel_loop3A_107, %parallel_loop3A_108] {strides = array<i32>} : memref<16x640xf32, #tpu.memory_space<vmem>>, vector<16xf32>,
        %parallel_loop3A_110 = arith.addf %parallel_loop3A_105, %parallel_loop3A_109 : vector<16xf32>
        %parallel_loop3A_111 = arith.constant 9 : i32
        %parallel_loop3A_112 = arith.index_cast %parallel_loop3A_111 : i32 to index
        %parallel_loop3A_113 = arith.index_cast %parallel_loop3A_60 : i32 to index
        %parallel_loop3A_114 = tpu.vector_load %arg15[%parallel_loop3A_112, %parallel_loop3A_113] {strides = array<i32>} : memref<16x640xf32, #tpu.memory_space<vmem>>, vector<16xf32>,
        %parallel_loop3A_115 = arith.addf %parallel_loop3A_110, %parallel_loop3A_114 : vector<16xf32>
        %parallel_loop3A_116 = arith.constant 10 : i32
        %parallel_loop3A_117 = arith.index_cast %parallel_loop3A_116 : i32 to index
        %parallel_loop3A_118 = arith.index_cast %parallel_loop3A_60 : i32 to index
        %parallel_loop3A_119 = tpu.vector_load %arg15[%parallel_loop3A_117, %parallel_loop3A_118] {strides = array<i32>} : memref<16x640xf32, #tpu.memory_space<vmem>>, vector<16xf32>,
        %parallel_loop3A_120 = arith.addf %parallel_loop3A_115, %parallel_loop3A_119 : vector<16xf32>
        %parallel_loop3A_121 = arith.constant 11 : i32
        %parallel_loop3A_122 = arith.index_cast %parallel_loop3A_121 : i32 to index
        %parallel_loop3A_123 = arith.index_cast %parallel_loop3A_60 : i32 to index
        %parallel_loop3A_124 = tpu.vector_load %arg15[%parallel_loop3A_122, %parallel_loop3A_123] {strides = array<i32>} : memref<16x640xf32, #tpu.memory_space<vmem>>, vector<16xf32>,
        %parallel_loop3A_125 = arith.addf %parallel_loop3A_120, %parallel_loop3A_124 : vector<16xf32>
        %parallel_loop3A_126 = arith.constant 12 : i32
        %parallel_loop3A_127 = arith.index_cast %parallel_loop3A_126 : i32 to index
        %parallel_loop3A_128 = arith.index_cast %parallel_loop3A_60 : i32 to index
        %parallel_loop3A_129 = tpu.vector_load %arg15[%parallel_loop3A_127, %parallel_loop3A_128] {strides = array<i32>} : memref<16x640xf32, #tpu.memory_space<vmem>>, vector<16xf32>,
        %parallel_loop3A_130 = arith.addf %parallel_loop3A_125, %parallel_loop3A_129 : vector<16xf32>
        %parallel_loop3A_131 = arith.constant 13 : i32
        %parallel_loop3A_132 = arith.index_cast %parallel_loop3A_131 : i32 to index
        %parallel_loop3A_133 = arith.index_cast %parallel_loop3A_60 : i32 to index
        %parallel_loop3A_134 = tpu.vector_load %arg15[%parallel_loop3A_132, %parallel_loop3A_133] {strides = array<i32>} : memref<16x640xf32, #tpu.memory_space<vmem>>, vector<16xf32>,
        %parallel_loop3A_135 = arith.addf %parallel_loop3A_130, %parallel_loop3A_134 : vector<16xf32>
        %parallel_loop3A_136 = arith.constant 14 : i32
        %parallel_loop3A_137 = arith.index_cast %parallel_loop3A_136 : i32 to index
        %parallel_loop3A_138 = arith.index_cast %parallel_loop3A_60 : i32 to index
        %parallel_loop3A_139 = tpu.vector_load %arg15[%parallel_loop3A_137, %parallel_loop3A_138] {strides = array<i32>} : memref<16x640xf32, #tpu.memory_space<vmem>>, vector<16xf32>,
        %parallel_loop3A_140 = arith.addf %parallel_loop3A_135, %parallel_loop3A_139 : vector<16xf32>
        %parallel_loop3A_141 = arith.constant 15 : i32
        %parallel_loop3A_142 = arith.index_cast %parallel_loop3A_141 : i32 to index
        %parallel_loop3A_143 = arith.index_cast %parallel_loop3A_60 : i32 to index
        %parallel_loop3A_144 = tpu.vector_load %arg15[%parallel_loop3A_142, %parallel_loop3A_143] {strides = array<i32>} : memref<16x640xf32, #tpu.memory_space<vmem>>, vector<16xf32>,
        %parallel_loop3A_145 = arith.addf %parallel_loop3A_140, %parallel_loop3A_144 : vector<16xf32>
        %parallel_loop3A_146 = arith.index_cast %parallel_loop3A_60 : i32 to index
        %parallel_loop3A_147 = tpu.vector_load %arg16[%parallel_loop3A_146] {strides = array<i32>} : memref<640xf32, #tpu.memory_space<vmem>>, vector<16xf32>,
        tpu.vector_store %arg16[%parallel_loop3A_146], %parallel_loop3A_145 {strides = array<i32>} : memref<640xf32, #tpu.memory_space<vmem>>, vector<16xf32>,
      } {sc.loop_unroll_factor = 4 : i64, sc.parallel_access}
      %mul3A_29 = arith.constant 640 : i32
      %mul3A_30 = arith.muli %arg1, %mul3A_29 : i32
      "tpu.region"() ({
        %run_scoped3A = tpu.sem_alloc : memref<!tpu.dma_semaphore, #tpu.memory_space<semaphore_mem>>
        %dma_start3A = tpu.memref_slice %arg18[%mul3A_30] : memref<10240xf32, #tpu.memory_space<vmem_shared>> -> memref<640xf32, #tpu.memory_space<vmem_shared>>
        %dma_start3A_60 = tpu.memref_slice %arg18[%mul3A_30] : memref<10240xf32, #tpu.memory_space<vmem_shared>> -> memref<640xf32, #tpu.memory_space<vmem_shared>>
        tpu.enqueue_dma source(%arg16 : memref<640xf32, #tpu.memory_space<vmem>>) target(%dma_start3A_60 : memref<640xf32, #tpu.memory_space<vmem_shared>>) target_semaphore(%run_scoped3A : memref<!tpu.dma_semaphore, #tpu.memory_space<semaphore_mem>>)
        %dma_wait3A = tpu.memref_slice %arg18[%mul3A_30] : memref<10240xf32, #tpu.memory_space<vmem_shared>> -> memref<640xf32, #tpu.memory_space<vmem_shared>>
        %dma_wait3A_61 = tpu.memref_slice %arg18[%mul3A_30] : memref<10240xf32, #tpu.memory_space<vmem_shared>> -> memref<640xf32, #tpu.memory_space<vmem_shared>>
        tpu.wait_dma2 semaphore(%run_scoped3A : memref<!tpu.dma_semaphore, #tpu.memory_space<semaphore_mem>>) src(%arg16 : memref<640xf32, #tpu.memory_space<vmem>>) dst(%dma_wait3A_61 : memref<640xf32, #tpu.memory_space<vmem_shared>>)
        tpu.yield
      }) : () -> ()
      %barrier3A_31 = arith.constant 0 : index
      tpu.barrier barrier_id(%barrier3A_31)
      "tpu.region"() ({
        %run_scoped3A = tpu.sem_alloc : memref<!tpu.dma_semaphore, #tpu.memory_space<semaphore_mem>>
        tpu.enqueue_dma source(%arg18 : memref<10240xf32, #tpu.memory_space<vmem_shared>>) target(%arg12 : memref<10240xf32, #tpu.memory_space<vmem>>) target_semaphore(%run_scoped3A : memref<!tpu.dma_semaphore, #tpu.memory_space<semaphore_mem>>)
        tpu.wait_dma2 semaphore(%run_scoped3A : memref<!tpu.dma_semaphore, #tpu.memory_space<semaphore_mem>>) src(%arg18 : memref<10240xf32, #tpu.memory_space<vmem_shared>>) dst(%arg12 : memref<10240xf32, #tpu.memory_space<vmem>>)
        tpu.yield
      }) : () -> ()
      %parallel_loop3A_32 = arith.constant 0 : i32
      %parallel_loop3A_33 = arith.constant 10240 : i32
      %parallel_loop3A_34 = arith.constant 16 : i32
      scf.for %parallel_loop3A_60 = %parallel_loop3A_32 to %parallel_loop3A_33 step %parallel_loop3A_34  : i32 {
        %parallel_loop3A_61 = arith.index_cast %parallel_loop3A_60 : i32 to index
        %parallel_loop3A_62 = tpu.vector_load %arg14[%parallel_loop3A_61] {strides = array<i32>} : memref<10240xf32, #tpu.memory_space<vmem>>, vector<16xf32>,
        tpu.vector_store %arg14[%parallel_loop3A_61], %broadcast_in_dim3A_3 {strides = array<i32>} : memref<10240xf32, #tpu.memory_space<vmem>>, vector<16xf32>,
      } {sc.loop_unroll_factor = 8 : i64, sc.parallel_access}
      %parallel_loop3A_35 = arith.constant 0 : i32
      %parallel_loop3A_36 = arith.constant 20000 : i32
      %parallel_loop3A_37 = arith.constant 16 : i32
      scf.for %parallel_loop3A_60 = %parallel_loop3A_35 to %parallel_loop3A_36 step %parallel_loop3A_37  : i32 {
        %parallel_loop3A_61 = arith.index_cast %parallel_loop3A_60 : i32 to index
        %parallel_loop3A_62 = tpu.vector_load %arg9[%parallel_loop3A_61] {strides = array<i32>} : memref<20000xi32, #tpu.memory_space<vmem>>, vector<16xi32>,
        %parallel_loop3A_63 = arith.constant 65535 : i32
        %parallel_loop3A_64 = vector.broadcast %parallel_loop3A_63 : i32 to vector<16xi32>
        %parallel_loop3A_65 = arith.andi %parallel_loop3A_62, %parallel_loop3A_64 : vector<16xi32>
        %parallel_loop3A_66 = arith.constant 16 : i32
        %parallel_loop3A_67 = vector.broadcast %parallel_loop3A_66 : i32 to vector<16xi32>
        %parallel_loop3A_68 = arith.shrui %parallel_loop3A_62, %parallel_loop3A_67 : vector<16xi32>
        %parallel_loop3A_69 = tpu.vector_load_idx %arg12[%parallel_loop3A_65] : memref<10240xf32, #tpu.memory_space<vmem>>[vector<16xi32>], vector<16xf32>,
        %parallel_loop3A_70 = arith.index_cast %parallel_loop3A_60 : i32 to index
        %parallel_loop3A_71 = tpu.vector_load %arg8[%parallel_loop3A_70] {strides = array<i32>} : memref<20000xf32, #tpu.memory_space<vmem>>, vector<16xf32>,
        %parallel_loop3A_72 = arith.mulf %parallel_loop3A_71, %parallel_loop3A_69 : vector<16xf32>
        tpu.vector_store_idx %arg14[%parallel_loop3A_68], %parallel_loop3A_72 {add = true} : memref<10240xf32, #tpu.memory_space<vmem>>[vector<16xi32>], vector<16xf32>,
      } {sc.loop_unroll_factor = 10 : i64, sc.parallel_access}
      "tpu.region"() ({
        %run_scoped3A = tpu.sem_alloc : memref<!tpu.dma_semaphore, #tpu.memory_space<semaphore_mem>>
        %dma_start3A = arith.constant 0 : i32
        %dma_start3A_60 = tpu.memref_slice %arg17[%arg1, %dma_start3A] : memref<16x10240xf32, #tpu.memory_space<vmem_shared>> -> memref<1x10240xf32, #tpu.memory_space<vmem_shared>>
        %dma_start3A_61 = tpu.memref_squeeze %dma_start3A_60 : memref<1x10240xf32, #tpu.memory_space<vmem_shared>> -> memref<10240xf32, #tpu.memory_space<vmem_shared>>
        %dma_start3A_62 = arith.constant 0 : i32
        %dma_start3A_63 = tpu.memref_slice %arg17[%arg1, %dma_start3A_62] : memref<16x10240xf32, #tpu.memory_space<vmem_shared>> -> memref<1x10240xf32, #tpu.memory_space<vmem_shared>>
        %dma_start3A_64 = tpu.memref_squeeze %dma_start3A_63 : memref<1x10240xf32, #tpu.memory_space<vmem_shared>> -> memref<10240xf32, #tpu.memory_space<vmem_shared>>
        tpu.enqueue_dma source(%arg14 : memref<10240xf32, #tpu.memory_space<vmem>>) target(%dma_start3A_64 : memref<10240xf32, #tpu.memory_space<vmem_shared>>) target_semaphore(%run_scoped3A : memref<!tpu.dma_semaphore, #tpu.memory_space<semaphore_mem>>)
        %dma_wait3A = arith.constant 0 : i32
        %dma_wait3A_65 = tpu.memref_slice %arg17[%arg1, %dma_wait3A] : memref<16x10240xf32, #tpu.memory_space<vmem_shared>> -> memref<1x10240xf32, #tpu.memory_space<vmem_shared>>
        %dma_wait3A_66 = tpu.memref_squeeze %dma_wait3A_65 : memref<1x10240xf32, #tpu.memory_space<vmem_shared>> -> memref<10240xf32, #tpu.memory_space<vmem_shared>>
        %dma_wait3A_67 = arith.constant 0 : i32
        %dma_wait3A_68 = tpu.memref_slice %arg17[%arg1, %dma_wait3A_67] : memref<16x10240xf32, #tpu.memory_space<vmem_shared>> -> memref<1x10240xf32, #tpu.memory_space<vmem_shared>>
        %dma_wait3A_69 = tpu.memref_squeeze %dma_wait3A_68 : memref<1x10240xf32, #tpu.memory_space<vmem_shared>> -> memref<10240xf32, #tpu.memory_space<vmem_shared>>
        tpu.wait_dma2 semaphore(%run_scoped3A : memref<!tpu.dma_semaphore, #tpu.memory_space<semaphore_mem>>) src(%arg14 : memref<10240xf32, #tpu.memory_space<vmem>>) dst(%dma_wait3A_69 : memref<10240xf32, #tpu.memory_space<vmem_shared>>)
        tpu.yield
      }) : () -> ()
      %barrier3A_38 = arith.constant 0 : index
      tpu.barrier barrier_id(%barrier3A_38)
      %mul3A_39 = arith.constant 640 : i32
      %mul3A_40 = arith.muli %arg1, %mul3A_39 : i32
      "tpu.region"() ({
        %run_scoped3A = tpu.sem_alloc : memref<!tpu.dma_semaphore, #tpu.memory_space<semaphore_mem>>
        %dma_start3A = arith.constant 0 : i32
        %dma_start3A_60 = tpu.memref_slice %arg17[%dma_start3A, %mul3A_40] : memref<16x10240xf32, #tpu.memory_space<vmem_shared>> -> memref<16x640xf32, #tpu.memory_space<vmem_shared>>
        %dma_start3A_61 = arith.constant 0 : i32
        %dma_start3A_62 = tpu.memref_slice %arg17[%dma_start3A_61, %mul3A_40] : memref<16x10240xf32, #tpu.memory_space<vmem_shared>> -> memref<16x640xf32, #tpu.memory_space<vmem_shared>>
        tpu.enqueue_dma source(%dma_start3A_62 : memref<16x640xf32, #tpu.memory_space<vmem_shared>>) target(%arg15 : memref<16x640xf32, #tpu.memory_space<vmem>>) target_semaphore(%run_scoped3A : memref<!tpu.dma_semaphore, #tpu.memory_space<semaphore_mem>>)
        %dma_wait3A = arith.constant 0 : i32
        %dma_wait3A_63 = tpu.memref_slice %arg17[%dma_wait3A, %mul3A_40] : memref<16x10240xf32, #tpu.memory_space<vmem_shared>> -> memref<16x640xf32, #tpu.memory_space<vmem_shared>>
        %dma_wait3A_64 = arith.constant 0 : i32
        %dma_wait3A_65 = tpu.memref_slice %arg17[%dma_wait3A_64, %mul3A_40] : memref<16x10240xf32, #tpu.memory_space<vmem_shared>> -> memref<16x640xf32, #tpu.memory_space<vmem_shared>>
        tpu.wait_dma2 semaphore(%run_scoped3A : memref<!tpu.dma_semaphore, #tpu.memory_space<semaphore_mem>>) src(%dma_wait3A_65 : memref<16x640xf32, #tpu.memory_space<vmem_shared>>) dst(%arg15 : memref<16x640xf32, #tpu.memory_space<vmem>>)
        tpu.yield
      }) : () -> ()
      %parallel_loop3A_41 = arith.constant 0 : i32
      %parallel_loop3A_42 = arith.constant 640 : i32
      %parallel_loop3A_43 = arith.constant 16 : i32
      scf.for %parallel_loop3A_60 = %parallel_loop3A_41 to %parallel_loop3A_42 step %parallel_loop3A_43  : i32 {
        %parallel_loop3A_61 = arith.constant 640 : i32
        %parallel_loop3A_62 = arith.muli %arg1, %parallel_loop3A_61 : i32
        %parallel_loop3A_63 = arith.addi %parallel_loop3A_62, %parallel_loop3A_60 : i32
        %parallel_loop3A_64 = arith.index_cast %parallel_loop3A_63 : i32 to index
        %parallel_loop3A_65 = tpu.vector_load %arg13[%parallel_loop3A_64] {strides = array<i32>} : memref<10240xf32, #tpu.memory_space<vmem>>, vector<16xf32>,
        %parallel_loop3A_66 = arith.constant 0 : i32
        %parallel_loop3A_67 = arith.index_cast %parallel_loop3A_66 : i32 to index
        %parallel_loop3A_68 = arith.index_cast %parallel_loop3A_60 : i32 to index
        %parallel_loop3A_69 = tpu.vector_load %arg15[%parallel_loop3A_67, %parallel_loop3A_68] {strides = array<i32>} : memref<16x640xf32, #tpu.memory_space<vmem>>, vector<16xf32>,
        %parallel_loop3A_70 = arith.addf %parallel_loop3A_65, %parallel_loop3A_69 : vector<16xf32>
        %parallel_loop3A_71 = arith.constant 1 : i32
        %parallel_loop3A_72 = arith.index_cast %parallel_loop3A_71 : i32 to index
        %parallel_loop3A_73 = arith.index_cast %parallel_loop3A_60 : i32 to index
        %parallel_loop3A_74 = tpu.vector_load %arg15[%parallel_loop3A_72, %parallel_loop3A_73] {strides = array<i32>} : memref<16x640xf32, #tpu.memory_space<vmem>>, vector<16xf32>,
        %parallel_loop3A_75 = arith.addf %parallel_loop3A_70, %parallel_loop3A_74 : vector<16xf32>
        %parallel_loop3A_76 = arith.constant 2 : i32
        %parallel_loop3A_77 = arith.index_cast %parallel_loop3A_76 : i32 to index
        %parallel_loop3A_78 = arith.index_cast %parallel_loop3A_60 : i32 to index
        %parallel_loop3A_79 = tpu.vector_load %arg15[%parallel_loop3A_77, %parallel_loop3A_78] {strides = array<i32>} : memref<16x640xf32, #tpu.memory_space<vmem>>, vector<16xf32>,
        %parallel_loop3A_80 = arith.addf %parallel_loop3A_75, %parallel_loop3A_79 : vector<16xf32>
        %parallel_loop3A_81 = arith.constant 3 : i32
        %parallel_loop3A_82 = arith.index_cast %parallel_loop3A_81 : i32 to index
        %parallel_loop3A_83 = arith.index_cast %parallel_loop3A_60 : i32 to index
        %parallel_loop3A_84 = tpu.vector_load %arg15[%parallel_loop3A_82, %parallel_loop3A_83] {strides = array<i32>} : memref<16x640xf32, #tpu.memory_space<vmem>>, vector<16xf32>,
        %parallel_loop3A_85 = arith.addf %parallel_loop3A_80, %parallel_loop3A_84 : vector<16xf32>
        %parallel_loop3A_86 = arith.constant 4 : i32
        %parallel_loop3A_87 = arith.index_cast %parallel_loop3A_86 : i32 to index
        %parallel_loop3A_88 = arith.index_cast %parallel_loop3A_60 : i32 to index
        %parallel_loop3A_89 = tpu.vector_load %arg15[%parallel_loop3A_87, %parallel_loop3A_88] {strides = array<i32>} : memref<16x640xf32, #tpu.memory_space<vmem>>, vector<16xf32>,
        %parallel_loop3A_90 = arith.addf %parallel_loop3A_85, %parallel_loop3A_89 : vector<16xf32>
        %parallel_loop3A_91 = arith.constant 5 : i32
        %parallel_loop3A_92 = arith.index_cast %parallel_loop3A_91 : i32 to index
        %parallel_loop3A_93 = arith.index_cast %parallel_loop3A_60 : i32 to index
        %parallel_loop3A_94 = tpu.vector_load %arg15[%parallel_loop3A_92, %parallel_loop3A_93] {strides = array<i32>} : memref<16x640xf32, #tpu.memory_space<vmem>>, vector<16xf32>,
        %parallel_loop3A_95 = arith.addf %parallel_loop3A_90, %parallel_loop3A_94 : vector<16xf32>
        %parallel_loop3A_96 = arith.constant 6 : i32
        %parallel_loop3A_97 = arith.index_cast %parallel_loop3A_96 : i32 to index
        %parallel_loop3A_98 = arith.index_cast %parallel_loop3A_60 : i32 to index
        %parallel_loop3A_99 = tpu.vector_load %arg15[%parallel_loop3A_97, %parallel_loop3A_98] {strides = array<i32>} : memref<16x640xf32, #tpu.memory_space<vmem>>, vector<16xf32>,
        %parallel_loop3A_100 = arith.addf %parallel_loop3A_95, %parallel_loop3A_99 : vector<16xf32>
        %parallel_loop3A_101 = arith.constant 7 : i32
        %parallel_loop3A_102 = arith.index_cast %parallel_loop3A_101 : i32 to index
        %parallel_loop3A_103 = arith.index_cast %parallel_loop3A_60 : i32 to index
        %parallel_loop3A_104 = tpu.vector_load %arg15[%parallel_loop3A_102, %parallel_loop3A_103] {strides = array<i32>} : memref<16x640xf32, #tpu.memory_space<vmem>>, vector<16xf32>,
        %parallel_loop3A_105 = arith.addf %parallel_loop3A_100, %parallel_loop3A_104 : vector<16xf32>
        %parallel_loop3A_106 = arith.constant 8 : i32
        %parallel_loop3A_107 = arith.index_cast %parallel_loop3A_106 : i32 to index
        %parallel_loop3A_108 = arith.index_cast %parallel_loop3A_60 : i32 to index
        %parallel_loop3A_109 = tpu.vector_load %arg15[%parallel_loop3A_107, %parallel_loop3A_108] {strides = array<i32>} : memref<16x640xf32, #tpu.memory_space<vmem>>, vector<16xf32>,
        %parallel_loop3A_110 = arith.addf %parallel_loop3A_105, %parallel_loop3A_109 : vector<16xf32>
        %parallel_loop3A_111 = arith.constant 9 : i32
        %parallel_loop3A_112 = arith.index_cast %parallel_loop3A_111 : i32 to index
        %parallel_loop3A_113 = arith.index_cast %parallel_loop3A_60 : i32 to index
        %parallel_loop3A_114 = tpu.vector_load %arg15[%parallel_loop3A_112, %parallel_loop3A_113] {strides = array<i32>} : memref<16x640xf32, #tpu.memory_space<vmem>>, vector<16xf32>,
        %parallel_loop3A_115 = arith.addf %parallel_loop3A_110, %parallel_loop3A_114 : vector<16xf32>
        %parallel_loop3A_116 = arith.constant 10 : i32
        %parallel_loop3A_117 = arith.index_cast %parallel_loop3A_116 : i32 to index
        %parallel_loop3A_118 = arith.index_cast %parallel_loop3A_60 : i32 to index
        %parallel_loop3A_119 = tpu.vector_load %arg15[%parallel_loop3A_117, %parallel_loop3A_118] {strides = array<i32>} : memref<16x640xf32, #tpu.memory_space<vmem>>, vector<16xf32>,
        %parallel_loop3A_120 = arith.addf %parallel_loop3A_115, %parallel_loop3A_119 : vector<16xf32>
        %parallel_loop3A_121 = arith.constant 11 : i32
        %parallel_loop3A_122 = arith.index_cast %parallel_loop3A_121 : i32 to index
        %parallel_loop3A_123 = arith.index_cast %parallel_loop3A_60 : i32 to index
        %parallel_loop3A_124 = tpu.vector_load %arg15[%parallel_loop3A_122, %parallel_loop3A_123] {strides = array<i32>} : memref<16x640xf32, #tpu.memory_space<vmem>>, vector<16xf32>,
        %parallel_loop3A_125 = arith.addf %parallel_loop3A_120, %parallel_loop3A_124 : vector<16xf32>
        %parallel_loop3A_126 = arith.constant 12 : i32
        %parallel_loop3A_127 = arith.index_cast %parallel_loop3A_126 : i32 to index
        %parallel_loop3A_128 = arith.index_cast %parallel_loop3A_60 : i32 to index
        %parallel_loop3A_129 = tpu.vector_load %arg15[%parallel_loop3A_127, %parallel_loop3A_128] {strides = array<i32>} : memref<16x640xf32, #tpu.memory_space<vmem>>, vector<16xf32>,
        %parallel_loop3A_130 = arith.addf %parallel_loop3A_125, %parallel_loop3A_129 : vector<16xf32>
        %parallel_loop3A_131 = arith.constant 13 : i32
        %parallel_loop3A_132 = arith.index_cast %parallel_loop3A_131 : i32 to index
        %parallel_loop3A_133 = arith.index_cast %parallel_loop3A_60 : i32 to index
        %parallel_loop3A_134 = tpu.vector_load %arg15[%parallel_loop3A_132, %parallel_loop3A_133] {strides = array<i32>} : memref<16x640xf32, #tpu.memory_space<vmem>>, vector<16xf32>,
        %parallel_loop3A_135 = arith.addf %parallel_loop3A_130, %parallel_loop3A_134 : vector<16xf32>
        %parallel_loop3A_136 = arith.constant 14 : i32
        %parallel_loop3A_137 = arith.index_cast %parallel_loop3A_136 : i32 to index
        %parallel_loop3A_138 = arith.index_cast %parallel_loop3A_60 : i32 to index
        %parallel_loop3A_139 = tpu.vector_load %arg15[%parallel_loop3A_137, %parallel_loop3A_138] {strides = array<i32>} : memref<16x640xf32, #tpu.memory_space<vmem>>, vector<16xf32>,
        %parallel_loop3A_140 = arith.addf %parallel_loop3A_135, %parallel_loop3A_139 : vector<16xf32>
        %parallel_loop3A_141 = arith.constant 15 : i32
        %parallel_loop3A_142 = arith.index_cast %parallel_loop3A_141 : i32 to index
        %parallel_loop3A_143 = arith.index_cast %parallel_loop3A_60 : i32 to index
        %parallel_loop3A_144 = tpu.vector_load %arg15[%parallel_loop3A_142, %parallel_loop3A_143] {strides = array<i32>} : memref<16x640xf32, #tpu.memory_space<vmem>>, vector<16xf32>,
        %parallel_loop3A_145 = arith.addf %parallel_loop3A_140, %parallel_loop3A_144 : vector<16xf32>
        %parallel_loop3A_146 = arith.index_cast %parallel_loop3A_60 : i32 to index
        %parallel_loop3A_147 = tpu.vector_load %arg16[%parallel_loop3A_146] {strides = array<i32>} : memref<640xf32, #tpu.memory_space<vmem>>, vector<16xf32>,
        tpu.vector_store %arg16[%parallel_loop3A_146], %parallel_loop3A_145 {strides = array<i32>} : memref<640xf32, #tpu.memory_space<vmem>>, vector<16xf32>,
      } {sc.loop_unroll_factor = 4 : i64, sc.parallel_access}
      %mul3A_44 = arith.constant 640 : i32
      %mul3A_45 = arith.muli %arg1, %mul3A_44 : i32
      "tpu.region"() ({
        %run_scoped3A = tpu.sem_alloc : memref<!tpu.dma_semaphore, #tpu.memory_space<semaphore_mem>>
        %dma_start3A = tpu.memref_slice %arg18[%mul3A_45] : memref<10240xf32, #tpu.memory_space<vmem_shared>> -> memref<640xf32, #tpu.memory_space<vmem_shared>>
        %dma_start3A_60 = tpu.memref_slice %arg18[%mul3A_45] : memref<10240xf32, #tpu.memory_space<vmem_shared>> -> memref<640xf32, #tpu.memory_space<vmem_shared>>
        tpu.enqueue_dma source(%arg16 : memref<640xf32, #tpu.memory_space<vmem>>) target(%dma_start3A_60 : memref<640xf32, #tpu.memory_space<vmem_shared>>) target_semaphore(%run_scoped3A : memref<!tpu.dma_semaphore, #tpu.memory_space<semaphore_mem>>)
        %dma_wait3A = tpu.memref_slice %arg18[%mul3A_45] : memref<10240xf32, #tpu.memory_space<vmem_shared>> -> memref<640xf32, #tpu.memory_space<vmem_shared>>
        %dma_wait3A_61 = tpu.memref_slice %arg18[%mul3A_45] : memref<10240xf32, #tpu.memory_space<vmem_shared>> -> memref<640xf32, #tpu.memory_space<vmem_shared>>
        tpu.wait_dma2 semaphore(%run_scoped3A : memref<!tpu.dma_semaphore, #tpu.memory_space<semaphore_mem>>) src(%arg16 : memref<640xf32, #tpu.memory_space<vmem>>) dst(%dma_wait3A_61 : memref<640xf32, #tpu.memory_space<vmem_shared>>)
        tpu.yield
      }) : () -> ()
      %barrier3A_46 = arith.constant 0 : index
      tpu.barrier barrier_id(%barrier3A_46)
      "tpu.region"() ({
        %run_scoped3A = tpu.sem_alloc : memref<!tpu.dma_semaphore, #tpu.memory_space<semaphore_mem>>
        tpu.enqueue_dma source(%arg18 : memref<10240xf32, #tpu.memory_space<vmem_shared>>) target(%arg11 : memref<10240xf32, #tpu.memory_space<vmem>>) target_semaphore(%run_scoped3A : memref<!tpu.dma_semaphore, #tpu.memory_space<semaphore_mem>>)
        tpu.wait_dma2 semaphore(%run_scoped3A : memref<!tpu.dma_semaphore, #tpu.memory_space<semaphore_mem>>) src(%arg18 : memref<10240xf32, #tpu.memory_space<vmem_shared>>) dst(%arg11 : memref<10240xf32, #tpu.memory_space<vmem>>)
        tpu.yield
      }) : () -> ()
      %broadcast_in_dim3A_47 = arith.constant 0.000000e+00 : f32
      %broadcast_in_dim3A_48 = vector.broadcast %broadcast_in_dim3A_47 : f32 to vector<16xf32>
      %scan3A = arith.constant 0 : i32
      %scan3A_49 = arith.constant 640 : i32
      %scan3A_50 = arith.addi %scan3A, %scan3A_49 : i32
      %scan3A_51 = arith.constant 1 : i32
      %scan3A_52 = scf.for %scan3A_60 = %scan3A to %scan3A_50 step %scan3A_51 iter_args(%scan3A_61 = %broadcast_in_dim3A_48) -> (vector<16xf32>)  : i32 {
        %mul3A_62 = arith.constant 16 : i32
        %mul3A_63 = arith.muli %scan3A_60, %mul3A_62 : i32
        %get3A = arith.index_cast %mul3A_63 : i32 to index
        %get3A_64 = tpu.vector_load %arg11[%get3A] {strides = array<i32>} : memref<10240xf32, #tpu.memory_space<vmem>>, vector<16xf32>,
        %mul3A_65 = arith.constant 16 : i32
        %mul3A_66 = arith.muli %scan3A_60, %mul3A_65 : i32
        %get3A_67 = arith.index_cast %mul3A_66 : i32 to index
        %get3A_68 = tpu.vector_load %arg12[%get3A_67] {strides = array<i32>} : memref<10240xf32, #tpu.memory_space<vmem>>, vector<16xf32>,
        %ne3A = arith.cmpf one, %get3A_64, %get3A_68 : vector<16xf32>
        %convert_element_type3A = arith.extui %ne3A : vector<16xi1> to vector<16xi32>
        %convert_element_type3A_69 = arith.sitofp %convert_element_type3A : vector<16xi32> to vector<16xf32>
        %add3A_70 = arith.addf %scan3A_61, %convert_element_type3A_69 : vector<16xf32>
        scf.yield %add3A_70 : vector<16xf32>
      }
      %scan3A_53 = arith.constant 640 : i32
      %reduce_max3A = arith.constant true
      %reduce_max3A_54 = vector.broadcast %reduce_max3A : i1 to vector<16xi1>
      %reduce_max3A_55 = tpu.scan <max>, %scan3A_52 masked %reduce_max3A_54 : vector<16xf32>, vector<16xi1> -> vector<16xf32>
      %reduce_max3A_56 = vector.extract %reduce_max3A_55[15] : f32 from vector<16xf32>
      %eq3A = arith.constant 0.000000e+00 : f32
      %eq3A_57 = arith.cmpf oeq, %reduce_max3A_56, %eq3A : f32
      %jit3A = arith.constant 1 : i32
      %jit3A_58 = arith.constant 0 : i32
      %select_n3A = arith.select %eq3A_57, %jit3A, %jit3A_58 : i32
      %add3A = arith.constant 2 : i32
      %add3A_59 = arith.addi %while3A_16, %add3A : i32
      scf.yield %add3A_59, %select_n3A : i32, i32
    }
    %parallel_loop3A_6 = arith.constant 0 : i32
    %parallel_loop3A_7 = arith.constant 10240 : i32
    %parallel_loop3A_8 = arith.constant 16 : i32
    scf.for %parallel_loop3A_16 = %parallel_loop3A_6 to %parallel_loop3A_7 step %parallel_loop3A_8  : i32 {
      %parallel_loop3A_17 = arith.index_cast %parallel_loop3A_16 : i32 to index
      %parallel_loop3A_18 = tpu.vector_load %arg11[%parallel_loop3A_17] {strides = array<i32>} : memref<10240xf32, #tpu.memory_space<vmem>>, vector<16xf32>,
      %parallel_loop3A_19 = arith.constant 1.000000e-30 : f32
      %parallel_loop3A_20 = vector.broadcast %parallel_loop3A_19 : f32 to vector<16xf32>
      %parallel_loop3A_21 = arith.maximumf %parallel_loop3A_18, %parallel_loop3A_20 : vector<16xf32>
      %parallel_loop3A_22 = arith.index_cast %parallel_loop3A_16 : i32 to index
      %parallel_loop3A_23 = tpu.vector_load %arg11[%parallel_loop3A_22] {strides = array<i32>} : memref<10240xf32, #tpu.memory_space<vmem>>, vector<16xf32>,
      tpu.vector_store %arg11[%parallel_loop3A_22], %parallel_loop3A_21 {strides = array<i32>} : memref<10240xf32, #tpu.memory_space<vmem>>, vector<16xf32>,
    } {sc.loop_unroll_factor = 8 : i64, sc.parallel_access}
    %mul3A_9 = arith.constant 640 : i32
    %mul3A_10 = arith.muli %arg1, %mul3A_9 : i32
    %mul3A_11 = arith.constant 640 : i32
    %mul3A_12 = arith.muli %arg1, %mul3A_11 : i32
    "tpu.region"() ({
      %run_scoped3A = tpu.sem_alloc : memref<!tpu.dma_semaphore, #tpu.memory_space<semaphore_mem>>
      %dma_start3A = tpu.memref_slice %arg11[%mul3A_10] : memref<10240xf32, #tpu.memory_space<vmem>> -> memref<640xf32, #tpu.memory_space<vmem>>
      %dma_start3A_16 = tpu.memref_slice %arg6[%mul3A_12] : memref<10240xf32, #tpu.memory_space<hbm>> -> memref<640xf32, #tpu.memory_space<hbm>>
      %dma_start3A_17 = tpu.memref_slice %arg6[%mul3A_12] : memref<10240xf32, #tpu.memory_space<hbm>> -> memref<640xf32, #tpu.memory_space<hbm>>
      %dma_start3A_18 = tpu.memref_slice %arg11[%mul3A_10] : memref<10240xf32, #tpu.memory_space<vmem>> -> memref<640xf32, #tpu.memory_space<vmem>>
      tpu.enqueue_dma source(%dma_start3A_18 : memref<640xf32, #tpu.memory_space<vmem>>) target(%dma_start3A_17 : memref<640xf32, #tpu.memory_space<hbm>>) target_semaphore(%run_scoped3A : memref<!tpu.dma_semaphore, #tpu.memory_space<semaphore_mem>>)
      %dma_wait3A = tpu.memref_slice %arg11[%mul3A_10] : memref<10240xf32, #tpu.memory_space<vmem>> -> memref<640xf32, #tpu.memory_space<vmem>>
      %dma_wait3A_19 = tpu.memref_slice %arg6[%mul3A_12] : memref<10240xf32, #tpu.memory_space<hbm>> -> memref<640xf32, #tpu.memory_space<hbm>>
      %dma_wait3A_20 = tpu.memref_slice %arg6[%mul3A_12] : memref<10240xf32, #tpu.memory_space<hbm>> -> memref<640xf32, #tpu.memory_space<hbm>>
      %dma_wait3A_21 = tpu.memref_slice %arg11[%mul3A_10] : memref<10240xf32, #tpu.memory_space<vmem>> -> memref<640xf32, #tpu.memory_space<vmem>>
      tpu.wait_dma2 semaphore(%run_scoped3A : memref<!tpu.dma_semaphore, #tpu.memory_space<semaphore_mem>>) src(%dma_wait3A_21 : memref<640xf32, #tpu.memory_space<vmem>>) dst(%dma_wait3A_20 : memref<640xf32, #tpu.memory_space<hbm>>)
      tpu.yield
    }) : () -> ()
    %parallel_loop3A_13 = arith.constant 0 : i32
    %parallel_loop3A_14 = arith.constant 20000 : i32
    %parallel_loop3A_15 = arith.constant 16 : i32
    scf.for %parallel_loop3A_16 = %parallel_loop3A_13 to %parallel_loop3A_14 step %parallel_loop3A_15  : i32 {
      %parallel_loop3A_17 = arith.index_cast %parallel_loop3A_16 : i32 to index
      %parallel_loop3A_18 = tpu.vector_load %arg9[%parallel_loop3A_17] {strides = array<i32>} : memref<20000xi32, #tpu.memory_space<vmem>>, vector<16xi32>,
      %parallel_loop3A_19 = arith.constant 65535 : i32
      %parallel_loop3A_20 = vector.broadcast %parallel_loop3A_19 : i32 to vector<16xi32>
      %parallel_loop3A_21 = arith.andi %parallel_loop3A_18, %parallel_loop3A_20 : vector<16xi32>
      %parallel_loop3A_22 = arith.constant 16 : i32
      %parallel_loop3A_23 = vector.broadcast %parallel_loop3A_22 : i32 to vector<16xi32>
      %parallel_loop3A_24 = arith.shrui %parallel_loop3A_18, %parallel_loop3A_23 : vector<16xi32>
      %parallel_loop3A_25 = tpu.vector_load_idx %arg11[%parallel_loop3A_21] : memref<10240xf32, #tpu.memory_space<vmem>>[vector<16xi32>], vector<16xf32>,
      %parallel_loop3A_26 = tpu.vector_load_idx %arg11[%parallel_loop3A_24] : memref<10240xf32, #tpu.memory_space<vmem>>[vector<16xi32>], vector<16xf32>,
      %parallel_loop3A_27 = arith.index_cast %parallel_loop3A_16 : i32 to index
      %parallel_loop3A_28 = tpu.vector_load %arg8[%parallel_loop3A_27] {strides = array<i32>} : memref<20000xf32, #tpu.memory_space<vmem>>, vector<16xf32>,
      %parallel_loop3A_29 = arith.mulf %parallel_loop3A_28, %parallel_loop3A_25 : vector<16xf32>
      %parallel_loop3A_30 = arith.divf %parallel_loop3A_29, %parallel_loop3A_26 : vector<16xf32>
      %parallel_loop3A_31 = arith.index_cast %parallel_loop3A_16 : i32 to index
      %parallel_loop3A_32 = tpu.vector_load %arg8[%parallel_loop3A_31] {strides = array<i32>} : memref<20000xf32, #tpu.memory_space<vmem>>, vector<16xf32>,
      tpu.vector_store %arg8[%parallel_loop3A_31], %parallel_loop3A_30 {strides = array<i32>} : memref<20000xf32, #tpu.memory_space<vmem>>, vector<16xf32>,
    } {sc.loop_unroll_factor = 8 : i64, sc.parallel_access}
    "tpu.region"() ({
      %run_scoped3A = tpu.sem_alloc : memref<!tpu.dma_semaphore, #tpu.memory_space<semaphore_mem>>
      %dma_start3A = tpu.memref_slice %arg7[%mul3A_0] : memref<320000xf32, #tpu.memory_space<hbm>> -> memref<20000xf32, #tpu.memory_space<hbm>>
      %dma_start3A_16 = tpu.memref_slice %arg7[%mul3A_0] : memref<320000xf32, #tpu.memory_space<hbm>> -> memref<20000xf32, #tpu.memory_space<hbm>>
      tpu.enqueue_dma source(%arg8 : memref<20000xf32, #tpu.memory_space<vmem>>) target(%dma_start3A_16 : memref<20000xf32, #tpu.memory_space<hbm>>) target_semaphore(%run_scoped3A : memref<!tpu.dma_semaphore, #tpu.memory_space<semaphore_mem>>)
      %dma_wait3A = tpu.memref_slice %arg7[%mul3A_0] : memref<320000xf32, #tpu.memory_space<hbm>> -> memref<20000xf32, #tpu.memory_space<hbm>>
      %dma_wait3A_17 = tpu.memref_slice %arg7[%mul3A_0] : memref<320000xf32, #tpu.memory_space<hbm>> -> memref<20000xf32, #tpu.memory_space<hbm>>
      tpu.wait_dma2 semaphore(%run_scoped3A : memref<!tpu.dma_semaphore, #tpu.memory_space<semaphore_mem>>) src(%arg8 : memref<20000xf32, #tpu.memory_space<vmem>>) dst(%dma_wait3A_17 : memref<20000xf32, #tpu.memory_space<hbm>>)
      tpu.yield
    }) : () -> ()
    return
  }
}

module attributes {stable_mosaic.version = 14 : i64} {
  func.func @_tc_util_body(%arg0: i32, %arg1: memref<1x128xf32, #tpu.memory_space<vmem>>, %arg2: memref<1xf32, #tpu.memory_space<smem>>, %arg3: memref<16000x128xf32, #tpu.memory_space<vmem>>, %arg4: memref<1x1x16000xf32, #tpu.memory_space<vmem>>, %arg5: memref<1x1x16000xf32, #tpu.memory_space<vmem>>) attributes {dimension_semantics = [#tpu.dimension_semantics<arbitrary>], iteration_bounds = array<i64: 20>, scalar_prefetch = 0 : i64, scratch_operands = 0 : i64, tpu.core_type = #tpu.core_type<tc>, window_params = [{pipeline_mode = #tpu.pipeline_mode<synchronous>, transform_indices = @transform_0, window_bounds = array<i64: 1, 128>}, {transform_indices = @transform_1, window_bounds = array<i64: 1>}, {transform_indices = @transform_2, window_bounds = array<i64: 16000, 128>}, {transform_indices = @transform_3, window_bounds = array<i64: 1, 1, 16000>}, {transform_indices = @transform_4, window_bounds = array<i64: 1, 1, 16000>}]} {
    %get3A = arith.constant 0 : index
    %get3A_0 = arith.constant 0 : index
    %get3A_1 = vector.load %arg3[%get3A, %get3A_0] : memref<16000x128xf32, #tpu.memory_space<vmem>>, vector<16000x128xf32>
    %get3A_2 = arith.constant 0 : index
    %get3A_3 = arith.constant 0 : index
    %get3A_4 = vector.load %arg1[%get3A_2, %get3A_3] : memref<1x128xf32, #tpu.memory_space<vmem>>, vector<1x128xf32>
    %dot_general3A = arith.constant dense<0.000000e+00> : vector<1x16000xf32>
    %dot_general3A_5 = tpu.matmul %get3A_4, %get3A_1, %dot_general3A {dimension_numbers = #tpu.dot_dimension_numbers<[1], [1], [0], [0], [0, 0, 1, 0], [], []>, transpose_lhs_hint = false} : vector<1x128xf32>, vector<16000x128xf32>, vector<1x16000xf32> -> vector<1x16000xf32>
    %get3A_6 = arith.constant 0 : index
    %get3A_7 = memref.load %arg2[%get3A_6] : memref<1xf32, #tpu.memory_space<smem>>
    %add3A = vector.broadcast %get3A_7 : f32 to vector<1x16000xf32>
    %add3A_8 = arith.addf %dot_general3A_5, %add3A : vector<1x16000xf32>
    %jit3A = arith.constant -1.000000e+02 : f32
    %jit3A_9 = arith.constant -9.99999997E-7 : f32
    %max3A = vector.broadcast %jit3A : f32 to vector<1x16000xf32>
    %max3A_10 = arith.maximumf %max3A, %add3A_8 : vector<1x16000xf32>
    %min3A = vector.broadcast %jit3A_9 : f32 to vector<1x16000xf32>
    %min3A_11 = arith.minimumf %min3A, %max3A_10 : vector<1x16000xf32>
    %broadcast_in_dim3A = vector.shape_cast %min3A_11 : vector<1x16000xf32> to vector<1x1x16000xf32>
    %swap3A = arith.constant 0 : index
    %swap3A_12 = arith.constant 0 : index
    %swap3A_13 = arith.constant 0 : index
    %swap3A_14 = vector.load %arg4[%swap3A, %swap3A_12, %swap3A_13] : memref<1x1x16000xf32, #tpu.memory_space<vmem>>, vector<1x1x16000xf32>
    tpu.vector_store %arg4[%swap3A, %swap3A_12, %swap3A_13], %broadcast_in_dim3A {strides = array<i32>} : memref<1x1x16000xf32, #tpu.memory_space<vmem>>, vector<1x1x16000xf32>,
    %exp3A = math.exp %min3A_11 : vector<1x16000xf32>
    %broadcast_in_dim3A_15 = vector.shape_cast %exp3A : vector<1x16000xf32> to vector<1x1x16000xf32>
    %swap3A_16 = arith.constant 0 : index
    %swap3A_17 = arith.constant 0 : index
    %swap3A_18 = arith.constant 0 : index
    %swap3A_19 = vector.load %arg5[%swap3A_16, %swap3A_17, %swap3A_18] : memref<1x1x16000xf32, #tpu.memory_space<vmem>>, vector<1x1x16000xf32>
    tpu.vector_store %arg5[%swap3A_16, %swap3A_17, %swap3A_18], %broadcast_in_dim3A_15 {strides = array<i32>} : memref<1x1x16000xf32, #tpu.memory_space<vmem>>, vector<1x1x16000xf32>,
    return
  }
  func.func @transform_0(%arg0: i32) -> (i32, i32) {
    %c0_i32 = arith.constant 0 : i32
    %c0_i32_0 = arith.constant 0 : i32
    %c0_i32_1 = arith.constant 0 : i32
    return %c0_i32, %c0_i32_0 : i32, i32
  }
  func.func @transform_1(%arg0: i32) -> i32 {
    %c0_i32 = arith.constant 0 : i32
    %c0_i32_0 = arith.constant 0 : i32
    return %c0_i32 : i32
  }
  func.func @transform_2(%arg0: i32) -> (i32, i32) {
    %c0_i32 = arith.constant 0 : i32
    %c0_i32_0 = arith.constant 0 : i32
    return %arg0, %c0_i32 : i32, i32
  }
  func.func @transform_3(%arg0: i32) -> (i32, i32, i32) {
    %c0_i32 = arith.constant 0 : i32
    %c0_i32_0 = arith.constant 0 : i32
    %c0_i32_1 = arith.constant 0 : i32
    return %arg0, %c0_i32, %c0_i32_0 : i32, i32, i32
  }
  func.func @transform_4(%arg0: i32) -> (i32, i32, i32) {
    %c0_i32 = arith.constant 0 : i32
    %c0_i32_0 = arith.constant 0 : i32
    %c0_i32_1 = arith.constant 0 : i32
    return %arg0, %c0_i32, %c0_i32_0 : i32, i32, i32
  }
}

module attributes {stable_mosaic.version = 14 : i64} {
  func.func @_tc_log_body(%arg0: memref<80x128xf32, #tpu.memory_space<vmem>>, %arg1: memref<80x128xf32, #tpu.memory_space<vmem>>) attributes {dimension_semantics = [], scalar_prefetch = 0 : i64, scratch_operands = 0 : i64, tpu.core_type = #tpu.core_type<tc>} {
    %get3A = arith.constant 0 : index
    %get3A_0 = arith.constant 0 : index
    %get3A_1 = vector.load %arg0[%get3A, %get3A_0] : memref<80x128xf32, #tpu.memory_space<vmem>>, vector<80x128xf32>
    %max3A = arith.constant 1.000000e-30 : f32
    %max3A_2 = vector.broadcast %max3A : f32 to vector<80x128xf32>
    %max3A_3 = arith.maximumf %get3A_1, %max3A_2 : vector<80x128xf32>
    %log3A = math.log %max3A_3 : vector<80x128xf32>
    %swap3A = arith.constant 0 : index
    %swap3A_4 = arith.constant 0 : index
    %swap3A_5 = vector.load %arg1[%swap3A, %swap3A_4] : memref<80x128xf32, #tpu.memory_space<vmem>>, vector<80x128xf32>
    tpu.vector_store %arg1[%swap3A, %swap3A_4], %log3A {strides = array<i32>} : memref<80x128xf32, #tpu.memory_space<vmem>>, vector<80x128xf32>,
    return
  }
}

</mosaic_0001>

<sc_bundles>
// kernel: kernel.5.cloned.1.call-start
scs
__scs_entry_jumppad:
0x0: {  	(pc) =	sbr.rel $0x88, $3  }
0x1: {  	(tag) =	ssettag $0x0;
	lr =	simm.s32 $0x1  }
0x2: {  	[smem:$0x3F9C] =	sst lr;
	_ =	strace $0xD0000000  }
0x3: {  	_ = 	snop  }
0x4: {  	_ = 	snop  }
0x5: {  	_ = 	snop  }
0x6: {  	_ = 	snop  }
0x7: {  	_ = 	snop  }
__scs_overlays_trampoline_lowered:
0x8: {  	[smem:$0x3FAB] =	sst s0  }
0x9: {  	[smem:$0x3FAC] =	sst s1  }
0xa: {  	[smem:$0x3FAD] =	sst s2  }
0xb: {  	[smem:$0x3FAE] =	sst s3  }
0xc: {  	[smem:$0x3FAF] =	sst s4  }
0xd: {  	[smem:$0x3FB0] =	sst s5  }
0xe: {  	[smem:$0x3FB1] =	sst s6  }
0xf: {  	[smem:$0x3FB2] =	sst s7  }
0x10: {  	[smem:$0x3FB3] =	sst s8  }
0x11: {  	[smem:$0x3FB4] =	sst s9;
	s0 =	simm.s32 @!p0 $0x0  }
0x12: {  	s1 =	sld [smem:$0x3F9A];
	s0 =	simm.s32 @p0 $0x1  }
0x13: {  	[smem:$0x3FB5] =	sst s0;
	s0 =	simm.s32 @!p1 $0x0  }
0x14: {  	s2 =	sld [smem:$0x3F99];
	s0 =	simm.s32 @p1 $0x1  }
0x15: {  	[smem:$0x3FB6] =	sst s0;
	s0 =	simm.s32 @!p2 $0x0  }
0x16: {  	s3 =	sld [smem:$0x3FDB];
	s0 =	simm.s32 @p2 $0x1  }
0x17: {  	s4 =	simm.s32 $0x1BF5;
	[smem:$0x3FB8] =	sst s0  }
0x18: {  	s0 =	sld [smem:$0x3F9B];
	_ =	swait.ge [sflag:s4], $0x0  }
0x19: {  	s7 =	sld [smem:$0x3F9C]  }
0x1a: {  	s8 =	sadd.s32 $0xFFFFE003, lr  }
0x1b: {  	s9 =	sadd.s32 $0xFFFFFEF7, lr;
	s5 =	simm.s32 $0xFFFFFFFF;
	p2 =	slt.u32 s8, $0xFFFFF086  }
0x1c: {  	p1 =	slt.u32 s9, $0xF7A;
	s5 =	simm.s32 @!p2 $0x0  }
0x1d: {  	s5 =	simm.s32 @p1 $0x1;
	p0 =	seq.s32 s7, s2  }
0x1e: {  	s7 =	smul.u32 @!p0 $0xF7A, s2;
	p2 =	seq.s32 @!p0 s5, $0x0  }
0x1f: {  	s9 =	smul.u32 $0xF7A, s1;
	s8 =	simm.s32 @!p0 $0x1BF5;
	p2 =	por !p2, p0  }
0x20: {  	[sflag:s8] =	ssyncset.s32 @!p0 $0xFFFFF086;
	s6 =	sadd.s32 @!p0 s3, s7;
	s7 =	simm.s32 @!p0 $0x108  }
0x21: {  	s3 =	sadd.s32 s3, s9;
	s6 =	sadd.s32 @!p0 $0x88, s6;
	s7 =	simm.s32 @p2 $0x1082  }
0x22: {  	[simem:s7], [sflag:s8] =	dma.local @!p0 [hbm:s6], $0xF7A  }
0x23: {  	s9 =	sor.u32 $0xD0000000, s2;
	s6 =	simm.s32 $0x108;
	_ =	swait.ge @!p0 [sflag:s8], $0x0  }
0x24: {  	s3 =	sadd.s32 $0x88, s3;
	s6 =	simm.s32 @!p1 $0x1082;
	[sflag:s4] =	ssyncset.s32 $0xFFFFF086  }
0x25: {  	[simem:s6], [sflag:s4] =	dma.local [hbm:s3], $0xF7A  }
0x26: {  	[smem:$0x3F9C] =	sst s1;
	(tag) =	ssettag s2;
	_ =	strace s9  }
0x27: {  	s1 =	sld [smem:$0x3FAC]  }
0x28: {  	s2 =	sld [smem:$0x3FAD]  }
0x29: {  	s4 =	sld [smem:$0x3FAF]  }
0x2a: {  	p0 =	seq.s32 s5, $0x0;
	s5 =	sld [smem:$0x3FB0]  }
0x2b: {  	s6 =	sld [smem:$0x3FB1]  }
0x2c: {  	s7 =	sld [smem:$0x3FB2]  }
0x2d: {  	s3 =	simm.s32 $0x108;
	s8 =	sld [smem:$0x3FB3]  }
0x2e: {  	s3 =	simm.s32 @!p0 $0x1082;
	s9 =	sld [smem:$0x3FB4]  }
0x2f: {  	lr =	sadd.s32 s0, s3;
	s0 =	sld [smem:$0x3FAB]  }
0x30: {  	s3 =	sld [smem:$0x3FAE]  }
0x31: {  	[smem:$0x3FB7] =	sst s10  }
0x32: {  	s10 =	sld [smem:$0x3FB5];
	_ =	sdelay $0x3  }
0x33: {  	p0 =	seq.s32 s10, $0x1;
	s10 =	sld [smem:$0x3FB7];
	_ =	sdelay $0x3  }
0x34: {  	[smem:$0x3FB7] =	sst s10  }
0x35: {  	s10 =	sld [smem:$0x3FB6];
	_ =	sdelay $0x3  }
0x36: {  	p1 =	seq.s32 s10, $0x1;
	s10 =	sld [smem:$0x3FB7];
	_ =	sdelay $0x3  }
0x37: {  	[smem:$0x3FB7] =	sst s10  }
0x38: {  	s10 =	sld [smem:$0x3FB8]  }
0x39: {  	_ = 	snop;
	(pc) =	sbr.ind lr, $3  }
0x3a: {  	_ = 	snop  }
0x3b: {  	_ = 	snop  }
0x3c: {  	p2 =	seq.s32 s10, $0x1;
	s10 =	sld [smem:$0x3FB7]  }
0x3d: {  	_ =	shalt  }
0x3e: {  	_ =	shalt  }
0x3f: {  	_ =	shalt  }
0x40: {  	_ =	shalt  }
0x41: {  	_ =	shalt  }
0x42: {  	_ =	shalt  }
0x43: {  	_ =	shalt  }
0x44: {  	_ =	shalt  }
0x45: {  	_ =	shalt  }
0x46: {  	_ =	shalt  }
0x47: {  	_ =	shalt  }
0x48: {  	_ =	shalt  }
0x49: {  	_ =	shalt  }
0x4a: {  	_ =	shalt  }
0x4b: {  	_ =	shalt  }
0x4c: {  	_ =	shalt  }
0x4d: {  	_ =	shalt  }
0x4e: {  	_ =	shalt  }
0x4f: {  	_ =	shalt  }
0x50: {  	_ =	shalt  }
0x51: {  	_ =	shalt  }
0x52: {  	_ =	shalt  }
0x53: {  	_ =	shalt  }
0x54: {  	_ =	shalt  }
0x55: {  	_ =	shalt  }
0x56: {  	_ =	shalt  }
0x57: {  	_ =	shalt  }
0x58: {  	_ =	shalt  }
0x59: {  	_ =	shalt  }
0x5a: {  	_ =	shalt  }
0x5b: {  	_ =	shalt  }
0x5c: {  	_ =	shalt  }
0x5d: {  	_ =	shalt  }
0x5e: {  	_ =	shalt  }
0x5f: {  	_ =	shalt  }
0x60: {  	_ =	shalt  }
0x61: {  	_ =	shalt  }
0x62: {  	_ =	shalt  }
0x63: {  	_ =	shalt  }
0x64: {  	_ =	shalt  }
0x65: {  	_ =	shalt  }
0x66: {  	_ =	shalt  }
0x67: {  	_ =	shalt  }
0x68: {  	_ =	shalt  }
0x69: {  	_ =	shalt  }
0x6a: {  	_ =	shalt  }
0x6b: {  	_ =	shalt  }
0x6c: {  	_ =	shalt  }
0x6d: {  	_ =	shalt  }
0x6e: {  	_ =	shalt  }
0x6f: {  	_ =	shalt  }
0x70: {  	_ =	shalt  }
0x71: {  	_ =	shalt  }
0x72: {  	_ =	shalt  }
0x73: {  	_ =	shalt  }
0x74: {  	_ =	shalt  }
0x75: {  	_ =	shalt  }
0x76: {  	_ =	shalt  }
0x77: {  	_ =	shalt  }
0x78: {  	_ =	shalt  }
0x79: {  	_ =	shalt  }
0x7a: {  	_ =	shalt  }
0x7b: {  	_ =	shalt  }
0x7c: {  	_ =	shalt  }
0x7d: {  	_ =	shalt  }
0x7e: {  	_ =	shalt  }
0x7f: {  	_ =	shalt  }
0x80: {  	_ =	shalt  }
0x81: {  	_ =	shalt  }
0x82: {  	_ =	shalt  }
0x83: {  	_ =	shalt  }
0x84: {  	_ =	shalt  }
0x85: {  	_ =	shalt  }
0x86: {  	_ =	shalt  }
0x87: {  	_ =	shalt  }
.Lfunc_end0:
.L_simem_size_0:
called_computation_lowered:
.L_overlay_start_0:
0x88: {  	s0 =	sld [smem:$0x3FD9]  }
0x89: {  	s1 =	sld [smem:$0x3FFE];
	_ =	sdelay $0x3  }
0x8a: {  	s0 =	sadd.s32 s1, s0  }
0x8b: {  	[smem:$0x3FC3] =	sst s0  }
0x8c: {  	_ = 	snop  }
0x8d: {  	s0 =	sld [smem:$0x3FD0];
	_ =	sdelay $0x2  }
0x8e: {  	s13 =	simm.s32 $0xA;
	s2 =	simm.s32 $0x10  }
0x8f: {  	[smem:s2], [sflag:s13] =	dma.local [hbm:s0], $0x1  }
0x90: {  	_ =	swait.eq [sflag:s13], $0x1  }
0x91: {  	[sflag:s13] =	ssyncset.done $0x0  }
0x92: {  	s14 =	sld [smem:$0x10];
	[sflag:s13] =	ssyncadd.s32 $0xFFFFFFFF  }
0x93: {  	s15 =	sld [smem:$0x12];
	(tm) =	ssettm $0x1  }
0x94: {  	s16 =	sld [smem:$0x3FFB];
	_ =	sdelay $0x3  }
0x95: {  	_ =	strace s16  }
0x96: {  	s2 =	sld [smem:$0x3FFC];
	_ =	sdelay $0x3  }
0x97: {  	_ =	strace s2  }
0x98: {  	s2 =	sld [smem:$0x3FFD];
	_ =	sdelay $0x3  }
0x99: {  	_ =	strace s2  }
0x9a: {  	_ =	strace $0x8FFFFFFF  }
0x9b: {  	s17 =	sld [smem:$0x3FDB];
	_ =	sdelay $0x1  }
0x9c: {  	s3 =	simm.s32 $_scs_section_size  }
0x9d: {  	s4 =	simm.s32 $_size__tile_overlayer_lowered;
	s5 =	simm.s32 $_tile_overlayer_lowered  }
0x9e: {  	s20 =	simm.s32 $0x1BFF;
	s19 =	sshll.u32 s5, $0x1;
	s2 =	sadd.s32 s3, s17  }
0x9f: {  	s6 =	simm.s32 $0x0;
	s18 =	sshll.u32 s4, $0x1;
	s4 =	sadd.s32 s19, s2  }
0xa0: {  	[timem:s6], [sflag:s20] =	dma.local [hbm:s4], s18  }
0xa1: {  	_ =	swait.ge [sflag:s20], s18  }
0xa2: {  	s3 =	ssub.s32 $0x0, s18;
	[sflag:s20] =	ssyncset.done $0x0  }
0xa3: {  	[sflag:s20] =	ssyncadd.s32 s3;
	_ =	sdelay $0x1  }
0xa4: {  	s21 =	simm.s32 $0x1B8B  }
0xa5: {  	_ =	swait.ge [sflag:s21], $0x1  }
0xa6: {  	[sflag:s21] =	ssyncset.done $0x0  }
0xa7: {  	s23 =	simm.s32 $0x1B8E;
	s22 =	sld [smem:$0x3FFE];
	[sflag:s21] =	ssyncadd.s32 $0xFFFFFFFF  }
0xa8: {  	s24 =	simm.s32 $execute0_lowered;
	[smem:$0x3FD2] =	sst s23  }
0xa9: {  	s4 =	sshll.u32 s24, $0x1;
	_ =	strace $0x80000046;
	[dreg:$0x1] =	wrdreg $0xFFFFFFFF  }
0xaa: {  	s25 =	simm.s32 $_size_execute0_lowered;
	s2 =	sadd.s32 s2, s4;
	[dreg:$0x0] =	wrdreg $0x0  }
0xab: {  	s4 =	sshll.u32 s25, $0x1;
	[dreg:$0x2] =	wrdreg s2  }
0xac: {  	[dreg:$0x3] =	wrdreg s4  }
0xad: {  	[dreg:$0x4] =	wrdreg $0xC0  }
0xae: {  	_ =	task [dreg:s6], $0x5FFFF  }
0xaf: {  	[dreg:$0x1] =	wrdreg $0xFFFFFFFF  }
0xb0: {  	[dreg:$0x0] =	wrdreg $0x60  }
0xb1: {  	[dreg:$0x2] =	wrdreg s22  }
0xb2: {  	[dreg:$0x3] =	wrdreg s14  }
0xb3: {  	[dreg:$0x4] =	wrdreg s15  }
0xb4: {  	[dreg:$0x5] =	wrdreg $0x1B6000  }
0xb5: {  	[dreg:$0x6] =	wrdreg $0x1DE000  }
0xb6: {  	[dreg:$0x7] =	wrdreg $0x9  }
0xb7: {  	_ =	task.clear_ibuf [dreg:s6], $0x8FFFF;
	_ =	strace $0x90000046  }
0xb8: {  	s26 =	simm.s32 $0x9;
	_ =	strace $0x80000048  }
0xb9: {  	_ =	swait.ge [sflag:s26], $0x1  }
0xba: {  	[sflag:s26] =	ssyncadd.s32 $0xFFFFFFFF  }
0xbb: {  	_ =	strace $0x90000048  }
0xbc: {  	_ =	sfence  }
0xbd: {  	s28 =	sld [smem:$0x0];
	_ =	sdelay $0x1  }
0xbe: {  	s29 =	srdreg.scid  }
0xbf: {  	s30 =	sshll.u32 s29, $0xD;
	s31 =	sshrl.u32 s29, $0x2  }
0xc0: {  	s1 =	sand.u32 $0x1, s29;
	s2 =	sand.u32 $0x4000, s30;
	s0 =	sadd.s32 s31, s28  }
0xc1: {  	s1 =	sor.u32 s2, s1;
	s0 =	sshll.u32 s0, $0x11  }
0xc2: {  	s0 =	sor.u32 s0, s1  }
0xc3: {  	s0 =	sadd.s32 $0x8F2B, s0  }
0xc4: {  	[sflag:s0] =	ssyncadd.remote.s32 $0x1  }
0xc5: {  	_ =	sfence.sel $0xFFFF  }
0xc6: {  	[dreg:$0x0] =	wrdreg $0xFFFFFFFF;
	(pc) =	sbr.abs _section_cstart, $3  }
0xc7: {  	[dreg:$0x1] =	wrdreg $0xFFFFFFFF  }
0xc8: {  	_ =	task.clear_ibuf [dreg:s6], $0x2FFFF;
	_ =	strace $0x9FFFFFFF  }
0xc9: {  	(tm) =	ssettm $0x7FFFFFFF  }
tec
execute0_lowered:
.L_overlay_start_1:
0x0: {  	(tag) =	ssettag $0x1  }
0x1: {  	s3 =	rddreg [dreg:$0x0]  }
0x2: {  	s0 =	rddreg [dreg:$0x1];
	s8 =	stileid.u32  }
0x3: {  	s1 =	rddreg [dreg:$0x3];
	s2 =	simm.s32 $0x0;
	s4 =	smul.u32 $0x9C4, s8  }
0x4: {  	[smem:$0x7FF] =	sst s2  }
0x5: {  	[dreg:$0xb] =	wrdreg s4;
	s4 =	sadd.s32 s4, s3  }
0x6: {  	s28 =	simm.s32 $0x1;
	_ =	strace $0x80000047;
	s5 =	sadd.s32 $0x200, s4  }
0x7: {  	[tilespmem:s2], [sflag:$0x1] =	stream.linear.gather [hbm4b:s5+s2], $0x4E20, $0x38;
	[tilespmem:$0x1E080] =	vst v63  }
0x8: {  	_ =	swait.ge [sflag:s28], $0x4E20  }
0x9: {  	[sflag:s28] =	ssyncset.done $0x0  }
0xa: {  	s7 =	simm.s32 $0x4E80;
	s6 =	sadd.s32 $0x13E00, s4;
	[sflag:s28] =	ssyncadd.s32 $0xFFFFB1E0  }
0xb: {  	[tilespmem:s7], [sflag:$0x1] =	stream.linear.gather [hbm4b:s6+s2], $0x4E20, $0x38;
	[tilespmem:$0x1E080] =	vst v63  }
0xc: {  	_ =	swait.ge [sflag:s28], $0x4E20  }
0xd: {  	[sflag:s28] =	ssyncset.done $0x0  }
0xe: {  	s29 =	simm.s32 $0x9D00;
	s4 =	sadd.s32 $0xA000, s4;
	[sflag:s28] =	ssyncadd.s32 $0xFFFFB1E0  }
0xf: {  	[tilespmem:s29], [sflag:$0x1] =	stream.linear.gather [hbm4b:s4+s2], $0x4E20, $0x38;
	[tilespmem:$0x1E080] =	vst v63  }
0x10: {  	_ =	swait.ge [sflag:s28], $0x4E20  }
0x11: {  	[sflag:s28] =	ssyncset.done $0x0  }
0x12: {  	s30 =	simm.s32 $0x13B80;
	[sflag:s28] =	ssyncadd.s32 $0xFFFFB1E0  }
0x13: {  	[tilespmem:s30], [sflag:$0x1] =	stream.linear.gather [hbm4b:s0+s2], $0x2800, $0x38;
	[tilespmem:$0x1E080] =	vst v63  }
0x14: {  	_ =	swait.ge [sflag:s28], $0x2800  }
0x15: {  	[sflag:s28] =	ssyncset.done $0x0  }
0x16: {  	s31 =	simm.s32 $0xEB80;
	[sflag:s28] =	ssyncadd.s32 $0xFFFFD800  }
0x17: {  	[tilespmem:s31], [sflag:$0x1] =	stream.linear.gather [hbm4b:s0+s2], $0x2800, $0x38;
	[tilespmem:$0x1E080] =	vst v63  }
0x18: {  	_ =	swait.ge [sflag:s28], $0x2800  }
0x19: {  	[sflag:s28] =	ssyncset.done $0x0  }
0x1a: {  	s0 =	simm.s32 $0x4EC0;
	[sflag:s28] =	ssyncadd.s32 $0xFFFFD800  }
0x1b: {  	s2 =	simm.s32 $0x9D40;
	v0 =	vld [tilespmem:s0+$0x30]  }
0x1c: {  	v1 =	vld [tilespmem:s2+$0x30]  }
0x1d: {  	v2 =	vld [tilespmem:s0+$0xFFFFFFD0]  }
0x1e: {  	v3 =	vld [tilespmem:s0+$0xFFFFFFE0]  }
0x1f: {  	v8 =	vld [tilespmem:s0+$0xFFFFFFF0]  }
0x20: {  	v9 =	vld [tilespmem:s0+$0x0]  }
0x21: {  	v10 =	vld [tilespmem:s0+$0x10]  }
0x22: {  	v11 =	vld [tilespmem:s0+$0x20]  }
0x23: {  	v6 =	vld [tilespmem:s0+$0xFFFFFFC0]  }
0x24: {  	v12 =	vld [tilespmem:s2+$0xFFFFFFC0]  }
0x25: {  	v13 =	vld [tilespmem:s2+$0xFFFFFFD0]  }
0x26: {  	v7 =	vld [tilespmem:s2+$0xFFFFFFE0];
	v0 =	vshll.u32 v0, $0x10  }
0x27: {  	v5 =	vld [tilespmem:s2+$0xFFFFFFF0];
	v0 =	vor.u32 v1, v0  }
0x28: {  	s3 =	sadd.s32 $0x1DC00, s3;
	v14 =	vshll.u32 v2, $0x10;
	v4 =	vshll.u32 v3, $0x10;
	v1 =	vshll.u32 v6, $0x10;
	v6 =	vld [tilespmem:s2+$0x0];
	[tilespmem:s0+$0x30] =	vst v0  }
0x29: {  	v2 =	vshll.u32 v8, $0x10;
	v8 =	vld [tilespmem:s2+$0x10];
	v0 =	vshll.u32 v9, $0x10;
	v9 =	vor.u32 v12, v1;
	[dreg:$0xc] =	wrdreg s3  }
0x2a: {  	s4 =	simm.s32 $0x4F40;
	v3 =	vshll.u32 v10, $0x10;
	v10 =	vor.u32 v13, v14;
	v1 =	vshll.u32 v11, $0x10;
	s3 =	simm.s32 $0x0;
	[tilespmem:s0+$0xFFFFFFC0] =	vst v9;
	v9 =	vld [tilespmem:s2+$0x20]  }
.LBB2_1:
0x2b: {  	v11 =	vld [tilespmem:s4+$0x30];
	s3 =	sadd.s32 $0x80, s3;
	[tilespmem:s0+$0xFFFFFFD0] =	vst v10;
	v4 =	vor.u32 v7, v4;
	s2 =	sadd.s32 $0x80, s2  }
0x2c: {  	v7 =	vld [tilespmem:s2+$0x30];
	p0 =	slt.u32 s3, $0x4D80;
	[tilespmem:s0+$0xFFFFFFE0] =	vst v4;
	v2 =	vor.u32 v5, v2  }
0x2d: {  	v4 =	vld [tilespmem:s4+$0xFFFFFFD0];
	[tilespmem:s0+$0xFFFFFFF0] =	vst v2;
	v0 =	vor.u32 v6, v0  }
0x2e: {  	v2 =	vld [tilespmem:s4+$0xFFFFFFE0];
	[tilespmem:s0+$0x0] =	vst v0;
	v0 =	vor.u32 v8, v3  }
0x2f: {  	v3 =	vld [tilespmem:s4+$0xFFFFFFF0];
	[tilespmem:s0+$0x10] =	vst v0;
	v0 =	vor.u32 v9, v1  }
0x30: {  	v1 =	vld [tilespmem:s4+$0x0];
	v5 =	vshll.u32 v11, $0x10;
	[tilespmem:s0+$0x20] =	vst v0;
	s0 =	smov.u32 s4  }
0x31: {  	v6 =	vld [tilespmem:s4+$0x10];
	v0 =	vor.u32 v7, v5  }
0x32: {  	v9 =	vshll.u32 v4, $0x10;
	v8 =	vld [tilespmem:s4+$0x20];
	[tilespmem:s4+$0x30] =	vst v0  }
0x33: {  	v10 =	vld [tilespmem:s4+$0xFFFFFFC0];
	v4 =	vshll.u32 v2, $0x10  }
0x34: {  	v11 =	vld [tilespmem:s2+$0xFFFFFFC0];
	v2 =	vshll.u32 v3, $0x10  }
0x35: {  	v12 =	vld [tilespmem:s2+$0xFFFFFFD0];
	v0 =	vshll.u32 v1, $0x10  }
.Ltmp0:
0x36: {  	v7 =	vld [tilespmem:s2+$0xFFFFFFE0];
	v3 =	vshll.u32 v6, $0x10;
	(pc) =	sbr.rel @p0 .LBB2_1-.Ltmp0, $4  }
0x37: {  	v5 =	vld [tilespmem:s2+$0xFFFFFFF0];
	v1 =	vshll.u32 v8, $0x10  }
0x38: {  	v8 =	vshll.u32 v10, $0x10;
	v6 =	vld [tilespmem:s2+$0x0]  }
0x39: {  	v10 =	vor.u32 v11, v8;
	v8 =	vld [tilespmem:s2+$0x10]  }
0x3a: {  	s4 =	sadd.s32 $0x80, s4;
	[tilespmem:s0+$0xFFFFFFC0] =	vst v10;
	v10 =	vor.u32 v12, v9;
	v9 =	vld [tilespmem:s2+$0x20]  }
0x3b: {  	[tilespmem:s0+$0xFFFFFFD0] =	vst v10;
	v4 =	vor.u32 v7, v4  }
0x3c: {  	[tilespmem:s0+$0xFFFFFFE0] =	vst v4;
	v2 =	vor.u32 v5, v2  }
0x3d: {  	[tilespmem:s0+$0xFFFFFFF0] =	vst v2;
	v0 =	vor.u32 v6, v0  }
0x3e: {  	[tilespmem:s0+$0x0] =	vst v0;
	v62 =	vor.u32 v8, v3  }
0x3f: {  	[tilespmem:s0+$0x10] =	vst v62;
	v63 =	vor.u32 v9, v1  }
0x40: {  	s2 =	simm.s32 $0xEB00;
	s3 =	simm.s32 $0x9C80;
	[tilespmem:s0+$0x20] =	vst v63;
	s0 =	simm.s32 $0x4DF0  }
.LBB2_3:
0x41: {  	v0 =	vld [tilespmem:s3+$0x0]  }
0x42: {  	v1 =	vld [tilespmem:s2+$0x0];
	s0 =	sadd.s32 $0x10, s0  }
0x43: {  	p0 =	slt.u32 s0, $0x4E10  }
.Ltmp1:
0x44: {  	_ = 	snop;
	(pc) =	sbr.rel @p0 .LBB2_3-.Ltmp1, $4  }
0x45: {  	_ = 	snop  }
0x46: {  	v0 =	vshll.u32 v0, $0x10  }
0x47: {  	v0 =	vor.u32 v1, v0  }
0x48: {  	s2 =	sadd.s32 $0x10, s2;
	[tilespmem:s3+$0x0] =	vst v0;
	s3 =	sadd.s32 $0x10, s3  }
0x49: {  	s0 =	sshrl.u32 s8, $0x3;
	s3 =	smul.u32 $0x5000, s8  }
0x4a: {  	s0 =	smul.u32 $0x50000, s0  }
0x4b: {  	s2 =	sshll.u32 s8, $0x7;
	s14 =	smul.u32 $0x280, s8;
	s31 =	rddreg [dreg:$0x4]  }
0x4c: {  	s2 =	sand.u32 $0x380, s2;
	s3 =	sshrl.u32 s3, $0x2;
	s0 =	sshrl.u32 s0, $0x2  }
0x4d: {  	[dreg:$0x6] =	wrdreg s14;
	s30 =	sadd.s32 s3, s1;
	s0 =	sadd.s32 s0, s1  }
0x4e: {  	s4 =	simm.s32 $0x1;
	[dreg:$0xe] =	wrdreg s30;
	s0 =	sadd.s32 s2, s0  }
0x4f: {  	s3 =	simm.s32 $0x16380;
	[dreg:$0xd] =	wrdreg s0;
	s0 =	sadd.s32 s14, s31  }
0x50: {  	v0 =	vimm.f32 $0.0e+00;
	v1 =	vimm.s32 $0x0;
	s2 =	simm.s32 $0xEB80;
	[dreg:$0xf] =	wrdreg s0;
	s0 =	simm.s32 $0x0  }
.LBB2_5:
0x51: {  	[dreg:$0x10] =	wrdreg s0;
	s0 =	simm.s32 $0x163C0  }
0x52: {  	[tilespmem:s0+$0xFFFFFFC0] =	vst v0  }
0x53: {  	[tilespmem:s0+$0x30] =	vst v0  }
0x54: {  	[tilespmem:s0+$0x20] =	vst v0  }
0x55: {  	[tilespmem:s0+$0x10] =	vst v0  }
0x56: {  	[tilespmem:s0+$0x0] =	vst v0  }
0x57: {  	[tilespmem:s0+$0xFFFFFFF0] =	vst v0  }
0x58: {  	s1 =	simm.s32 $0x0;
	s22 =	simm.s32 $0x4ED0;
	s21 =	simm.s32 $0x50;
	[tilespmem:s0+$0xFFFFFFE0] =	vst v0  }
.LBB2_6:
0x59: {  	s1 =	sadd.s32 $0x80, s1;
	[tilespmem:s0+$0xFFFFFFD0] =	vst v0;
	s0 =	sadd.s32 $0x80, s0  }
0x5a: {  	[tilespmem:s0+$0xFFFFFFC0] =	vst v0;
	p0 =	slt.u32 s1, $0x2780  }
0x5b: {  	[tilespmem:s0+$0x30] =	vst v0  }
.Ltmp2:
0x5c: {  	[tilespmem:s0+$0x20] =	vst v0;
	(pc) =	sbr.rel @p0 .LBB2_6-.Ltmp2, $4  }
0x5d: {  	[tilespmem:s0+$0x10] =	vst v0  }
0x5e: {  	[tilespmem:s0+$0x0] =	vst v0  }
0x5f: {  	[tilespmem:s0+$0xFFFFFFF0] =	vst v0  }
0x60: {  	[tilespmem:s0+$0xFFFFFFE0] =	vst v0  }
0x61: {  	[tilespmem:s0+$0xFFFFFFD0] =	vst v0  }
0x62: {  	v6 =	vld [tilespmem:s22+$0x40]  }
0x63: {  	v7 =	vld [tilespmem:s22+$0xFFFFFFB0]  }
0x64: {  	v8 =	vld [tilespmem:s22+$0xFFFFFFC0]  }
0x65: {  	v9 =	vld [tilespmem:s22+$0xFFFFFFD0]  }
0x66: {  	s1 =	simm.s32 $0x0;
	v10 =	vld [tilespmem:s22+$0xFFFFFFE0]  }
0x67: {  	s31 =	sand.u32 $0x7FE0, s1;
	v11 =	vld [tilespmem:s22+$0xFFFFFFF0]  }
0x68: {  	v3 =	vld [tilespmem:s31+$0x4F00]  }
0x69: {  	v13 =	vld [tilespmem:s22+$0x0]  }
0x6a: {  	v15 =	vld [tilespmem:s22+$0x10]  }
0x6b: {  	v16 =	vld [tilespmem:s22+$0x20]  }
0x6c: {  	v18 =	vld [tilespmem:s21+$0x40]  }
0x6d: {  	v57 =	vld [tilespmem:s21+$0xFFFFFFB0];
	v4 =	vand.u32 $0xFFFF, v3  }
0x6e: {  	v58 =	vld [tilespmem:s21+$0xFFFFFFC0]  }
0x6f: {  	v59 =	vld [tilespmem:s21+$0xFFFFFFD0]  }
0x70: {  	v22 =	vld [tilespmem:s21+$0xFFFFFFE0]  }
0x71: {  	v5 =	vld [tilespmem:s31+$0x80];
	v14 =	vand.u32 $0xFFFF, v7  }
0x72: {  	v4 =	vld.idx.msk [tilespmem:v4+s2+$0x0], $0xffff  }
0x73: {  	v23 =	vld [tilespmem:s21+$0xFFFFFFF0]  }
0x74: {  	v24 =	vld [tilespmem:s21+$0x0];
	v3 =	vshrl.u32 v3, $0x10  }
0x75: {  	v60 =	vld [tilespmem:s21+$0x10];
	v12 =	vand.u32 $0xFFFF, v6  }
0x76: {  	s24 =	simm.s32 $0xA0;
	v17 =	vand.u32 $0xFFFF, v9;
	v14 =	vld.idx.msk [tilespmem:v14+s2+$0x0], $0xffff  }
0x77: {  	s23 =	sand.u32 $0x7FE0, s24;
	v61 =	vld [tilespmem:s21+$0x20];
	v19 =	vand.u32 $0xFFFF, v13;
	v4 =	vmul.f32 v5, v4  }
0x78: {  	v2 =	vld [tilespmem:s23+$0x4F00];
	v7 =	vshrl.u32 v7, $0x10  }
0x79: {  	[tilespmem:v3+s3+$0x0] =	vst.idx.add.f32.msk $0xffff, v4;
	v3 =	vand.u32 $0xFFFF, v10  }
0x7a: {  	v5 =	vand.u32 $0xFFFF, v8;
	v4 =	vld.idx.msk [tilespmem:v12+s2+$0x0], $0xffff  }
0x7b: {  	v55 =	vand.u32 $0xFFFF, v11;
	v17 =	vld.idx.msk [tilespmem:v17+s2+$0x0], $0xffff;
	v14 =	vmul.f32 v57, v14  }
0x7c: {  	v6 =	vshrl.u32 v6, $0x10;
	v56 =	vld.idx.msk [tilespmem:v19+s2+$0x0], $0xffff  }
0x7d: {  	v20 =	vand.u32 $0xFFFF, v15;
	[tilespmem:v7+s3+$0x0] =	vst.idx.add.f32.msk $0xffff, v14  }
0x7e: {  	v21 =	vand.u32 $0xFFFF, v16;
	v3 =	vld.idx.msk [tilespmem:v3+s2+$0x0], $0xffff  }
0x7f: {  	v9 =	vshrl.u32 v9, $0x10;
	v5 =	vld.idx.msk [tilespmem:v5+s2+$0x0], $0xffff;
	v4 =	vmul.f32 v18, v4  }
0x80: {  	v12 =	vld.idx.msk [tilespmem:v55+s2+$0x0], $0xffff;
	v10 =	vshrl.u32 v10, $0x10  }
0x81: {  	v8 =	vshrl.u32 v8, $0x10;
	[tilespmem:v6+s3+$0x0] =	vst.idx.add.f32.msk $0xffff, v4  }
0x82: {  	v13 =	vshrl.u32 v13, $0x10;
	v17 =	vmul.f32 v59, v17;
	v4 =	vld.idx.msk [tilespmem:v20+s2+$0x0], $0xffff  }
0x83: {  	v11 =	vshrl.u32 v11, $0x10;
	v6 =	vld.idx.msk [tilespmem:v21+s2+$0x0], $0xffff;
	v3 =	vmul.f32 v22, v3  }
0x84: {  	v7 =	vshrl.u32 v15, $0x10;
	[tilespmem:v9+s3+$0x0] =	vst.idx.add.f32.msk $0xffff, v17;
	v5 =	vmul.f32 v58, v5  }
0x85: {  	v62 =	vmul.f32 v24, v56;
	[tilespmem:v10+s3+$0x0] =	vst.idx.add.f32.msk $0xffff, v3;
	v3 =	vshrl.u32 v16, $0x10  }
0x86: {  	[tilespmem:v8+s3+$0x0] =	vst.idx.add.f32.msk $0xffff, v5;
	v5 =	vmul.f32 v23, v12  }
0x87: {  	[tilespmem:v13+s3+$0x0] =	vst.idx.add.f32.msk $0xffff, v62;
	v63 =	vmul.f32 v60, v4  }
0x88: {  	[tilespmem:v11+s3+$0x0] =	vst.idx.add.f32.msk $0xffff, v5;
	v5 =	vmul.f32 v61, v6;
	v4 =	vand.u32 $0xFFFF, v2  }
0x89: {  	[tilespmem:v7+s3+$0x0] =	vst.idx.add.f32.msk $0xffff, v63  }
.LBB2_8:
0x8a: {  	s24 =	sadd.s32 $0xA0, s24;
	[tilespmem:v3+s3+$0x0] =	vst.idx.add.f32.msk $0xffff, v5  }
0x8b: {  	v3 =	vld [tilespmem:s23+$0x80];
	s23 =	sand.u32 $0x7FE0, s24  }
0x8c: {  	p0 =	slt.u32 s24, $0x4D80;
	v5 =	vld [tilespmem:s23+$0x4F00]  }
0x8d: {  	s22 =	sadd.s32 $0xA0, s22;
	v4 =	vld.idx.msk [tilespmem:v4+s2+$0x0], $0xffff  }
0x8e: {  	v6 =	vld [tilespmem:s22+$0x40]  }
0x8f: {  	v7 =	vld [tilespmem:s22+$0xFFFFFFB0]  }
0x90: {  	v8 =	vld [tilespmem:s22+$0xFFFFFFC0]  }
0x91: {  	v9 =	vld [tilespmem:s22+$0xFFFFFFD0]  }
0x92: {  	v11 =	vshrl.u32 v2, $0x10;
	v2 =	vmov v5;
	v10 =	vld [tilespmem:s22+$0xFFFFFFE0]  }
0x93: {  	v5 =	vld [tilespmem:s22+$0xFFFFFFF0];
	v12 =	vand.u32 $0xFFFF, v6  }
0x94: {  	v13 =	vshrl.u32 v7, $0x10;
	v7 =	vand.u32 $0xFFFF, v7;
	v14 =	vld [tilespmem:s22+$0x0]  }
0x95: {  	v3 =	vmul.f32 v3, v4;
	v15 =	vshrl.u32 v8, $0x10;
	v8 =	vand.u32 $0xFFFF, v8;
	v16 =	vld [tilespmem:s22+$0x10]  }
0x96: {  	v4 =	vshrl.u32 v9, $0x10;
	v9 =	vand.u32 $0xFFFF, v9;
	v17 =	vld [tilespmem:s22+$0x20]  }
0x97: {  	v18 =	vshrl.u32 v10, $0x10;
	v10 =	vand.u32 $0xFFFF, v10;
	[tilespmem:v11+s3+$0x0] =	vst.idx.add.f32.msk $0xffff, v3  }
0x98: {  	s21 =	sadd.s32 $0xA0, s21;
	v11 =	vshrl.u32 v5, $0x10;
	v5 =	vand.u32 $0xFFFF, v5;
	v12 =	vld.idx.msk [tilespmem:v12+s2+$0x0], $0xffff  }
0x99: {  	v19 =	vshrl.u32 v14, $0x10;
	v14 =	vand.u32 $0xFFFF, v14;
	v20 =	vld [tilespmem:s21+$0x40]  }
0x9a: {  	v7 =	vld.idx.msk [tilespmem:v7+s2+$0x0], $0xffff;
	v21 =	vshrl.u32 v16, $0x10;
	v16 =	vand.u32 $0xFFFF, v16  }
0x9b: {  	v6 =	vshrl.u32 v6, $0x10;
	v8 =	vld.idx.msk [tilespmem:v8+s2+$0x0], $0xffff;
	v3 =	vshrl.u32 v17, $0x10;
	v17 =	vand.u32 $0xFFFF, v17  }
0x9c: {  	v9 =	vld.idx.msk [tilespmem:v9+s2+$0x0], $0xffff  }
0x9d: {  	v10 =	vld.idx.msk [tilespmem:v10+s2+$0x0], $0xffff  }
0x9e: {  	v5 =	vld.idx.msk [tilespmem:v5+s2+$0x0], $0xffff;
	v12 =	vmul.f32 v20, v12  }
0x9f: {  	v14 =	vld.idx.msk [tilespmem:v14+s2+$0x0], $0xffff  }
0xa0: {  	[tilespmem:v6+s3+$0x0] =	vst.idx.add.f32.msk $0xffff, v12  }
0xa1: {  	v6 =	vld.idx.msk [tilespmem:v16+s2+$0x0], $0xffff  }
0xa2: {  	v12 =	vld.idx.msk [tilespmem:v17+s2+$0x0], $0xffff  }
0xa3: {  	v16 =	vld [tilespmem:s21+$0xFFFFFFB0]  }
0xa4: {  	v17 =	vld [tilespmem:s21+$0xFFFFFFC0]  }
0xa5: {  	v20 =	vld [tilespmem:s21+$0xFFFFFFD0]  }
0xa6: {  	v22 =	vld [tilespmem:s21+$0xFFFFFFE0]  }
0xa7: {  	v23 =	vld [tilespmem:s21+$0xFFFFFFF0]  }
0xa8: {  	v7 =	vmul.f32 v16, v7;
	v16 =	vld [tilespmem:s21+$0x0]  }
0xa9: {  	v8 =	vmul.f32 v17, v8;
	v17 =	vld [tilespmem:s21+$0x10]  }
0xaa: {  	v9 =	vmul.f32 v20, v9;
	v20 =	vld [tilespmem:s21+$0x20]  }
0xab: {  	[tilespmem:v13+s3+$0x0] =	vst.idx.add.f32.msk $0xffff, v7;
	v7 =	vmul.f32 v22, v10  }
0xac: {  	[tilespmem:v15+s3+$0x0] =	vst.idx.add.f32.msk $0xffff, v8;
	v5 =	vmul.f32 v23, v5  }
.Ltmp3:
0xad: {  	[tilespmem:v4+s3+$0x0] =	vst.idx.add.f32.msk $0xffff, v9;
	v8 =	vmul.f32 v16, v14;
	(pc) =	sbr.rel @p0 .LBB2_8-.Ltmp3, $4  }
0xae: {  	[tilespmem:v18+s3+$0x0] =	vst.idx.add.f32.msk $0xffff, v7;
	v6 =	vmul.f32 v17, v6  }
0xaf: {  	[tilespmem:v11+s3+$0x0] =	vst.idx.add.f32.msk $0xffff, v5;
	v5 =	vmul.f32 v20, v12  }
0xb0: {  	v4 =	vand.u32 $0xFFFF, v2;
	[tilespmem:v19+s3+$0x0] =	vst.idx.add.f32.msk $0xffff, v8  }
0xb1: {  	[tilespmem:v21+s3+$0x0] =	vst.idx.add.f32.msk $0xffff, v6  }
0xb2: {  	_ =	sdelay $0x3  }
0xb3: {  	[tilespmem:v3+s3+$0x0] =	vst.idx.add.f32.msk $0xffff, v5  }
0xb4: {  	v3 =	vld [tilespmem:s23+$0x80]  }
0xb5: {  	v4 =	vld.idx.msk [tilespmem:v4+s2+$0x0], $0xffff;
	s0 =	sadd.s32 $0xA0, s22  }
0xb6: {  	v5 =	vld [tilespmem:s0+$0x40]  }
0xb7: {  	v6 =	vld [tilespmem:s0+$0xFFFFFFB0]  }
0xb8: {  	v7 =	vld [tilespmem:s0+$0xFFFFFFC0]  }
0xb9: {  	v8 =	vld [tilespmem:s0+$0xFFFFFFD0]  }
0xba: {  	v9 =	vld [tilespmem:s0+$0xFFFFFFE0]  }
0xbb: {  	v10 =	vld [tilespmem:s0+$0xFFFFFFF0]  }
0xbc: {  	v12 =	vld [tilespmem:s0+$0x0]  }
0xbd: {  	v14 =	vld [tilespmem:s0+$0x10]  }
0xbe: {  	s1 =	sadd.s32 $0xA0, s21;
	v15 =	vld [tilespmem:s0+$0x20]  }
0xbf: {  	v17 =	vld [tilespmem:s1+$0x40]  }
0xc0: {  	v36 =	vld [tilespmem:s1+$0xFFFFFFB0]  }
0xc1: {  	v37 =	vld [tilespmem:s1+$0xFFFFFFC0]  }
0xc2: {  	v38 =	vld [tilespmem:s1+$0xFFFFFFD0]  }
0xc3: {  	v2 =	vshrl.u32 v2, $0x10;
	v21 =	vld [tilespmem:s1+$0xFFFFFFE0]  }
0xc4: {  	v22 =	vld [tilespmem:s1+$0xFFFFFFF0];
	v11 =	vand.u32 $0xFFFF, v5  }
0xc5: {  	v23 =	vld [tilespmem:s1+$0x0];
	v13 =	vand.u32 $0xFFFF, v6  }
0xc6: {  	v39 =	vld [tilespmem:s1+$0x10];
	v3 =	vmul.f32 v3, v4;
	v4 =	vand.u32 $0xFFFF, v7  }
0xc7: {  	v40 =	vld [tilespmem:s1+$0x20];
	v16 =	vand.u32 $0xFFFF, v8  }
0xc8: {  	v18 =	vand.u32 $0xFFFF, v12;
	[tilespmem:v2+s3+$0x0] =	vst.idx.add.f32.msk $0xffff, v3  }
0xc9: {  	v2 =	vand.u32 $0xFFFF, v9;
	v3 =	vld.idx.msk [tilespmem:v11+s2+$0x0], $0xffff  }
0xca: {  	v11 =	vand.u32 $0xFFFF, v10;
	v13 =	vld.idx.msk [tilespmem:v13+s2+$0x0], $0xffff  }
0xcb: {  	v5 =	vshrl.u32 v5, $0x10;
	v4 =	vld.idx.msk [tilespmem:v4+s2+$0x0], $0xffff  }
0xcc: {  	v19 =	vand.u32 $0xFFFF, v14;
	v16 =	vld.idx.msk [tilespmem:v16+s2+$0x0], $0xffff  }
0xcd: {  	v20 =	vand.u32 $0xFFFF, v15;
	v35 =	vld.idx.msk [tilespmem:v18+s2+$0x0], $0xffff  }
0xce: {  	v6 =	vshrl.u32 v6, $0x10;
	v2 =	vld.idx.msk [tilespmem:v2+s2+$0x0], $0xffff;
	v3 =	vmul.f32 v17, v3  }
0xcf: {  	v7 =	vshrl.u32 v7, $0x10;
	v11 =	vld.idx.msk [tilespmem:v11+s2+$0x0], $0xffff  }
0xd0: {  	v8 =	vshrl.u32 v8, $0x10;
	[tilespmem:v5+s3+$0x0] =	vst.idx.add.f32.msk $0xffff, v3  }
0xd1: {  	v9 =	vshrl.u32 v9, $0x10;
	v13 =	vmul.f32 v36, v13;
	v3 =	vld.idx.msk [tilespmem:v19+s2+$0x0], $0xffff  }
0xd2: {  	v12 =	vshrl.u32 v12, $0x10;
	v4 =	vmul.f32 v37, v4;
	v5 =	vld.idx.msk [tilespmem:v20+s2+$0x0], $0xffff  }
0xd3: {  	v10 =	vshrl.u32 v10, $0x10;
	v16 =	vmul.f32 v38, v16;
	[tilespmem:v6+s3+$0x0] =	vst.idx.add.f32.msk $0xffff, v13  }
0xd4: {  	v2 =	vmul.f32 v21, v2;
	v6 =	vshrl.u32 v14, $0x10;
	[tilespmem:v7+s3+$0x0] =	vst.idx.add.f32.msk $0xffff, v4  }
0xd5: {  	v4 =	vshrl.u32 v15, $0x10;
	[tilespmem:v8+s3+$0x0] =	vst.idx.add.f32.msk $0xffff, v16;
	v8 =	vmul.f32 v23, v35  }
0xd6: {  	[tilespmem:v9+s3+$0x0] =	vst.idx.add.f32.msk $0xffff, v2;
	v7 =	vmul.f32 v22, v11  }
0xd7: {  	[tilespmem:v12+s3+$0x0] =	vst.idx.add.f32.msk $0xffff, v8;
	v2 =	vmul.f32 v39, v3  }
0xd8: {  	[tilespmem:v10+s3+$0x0] =	vst.idx.add.f32.msk $0xffff, v7;
	v3 =	vmul.f32 v40, v5  }
0xd9: {  	[tilespmem:v6+s3+$0x0] =	vst.idx.add.f32.msk $0xffff, v2  }
0xda: {  	[tilespmem:v4+s3+$0x0] =	vst.idx.add.f32.msk $0xffff, v3  }
0xdb: {  	s6 =	simm.s32 $0x400;
	s1 =	simm.s32 $0x80;
	s5 =	rddreg [dreg:$0xd]  }
0xdc: {  	[spmem:s5] =	stream.strided.scatter [tilespmem:s3], [sflag:$0x1], $0x2800, s6, s1, $0x38;
	[tilespmem:$0x1E080] =	vst v63  }
0xdd: {  	_ =	swait.ge [sflag:s4], $0x2800  }
0xde: {  	s8 =	simm.s32 $0x1400;
	s9 =	simm.s32 $0x14000;
	[sflag:s4] =	ssyncset.done $0x0  }
0xdf: {  	s10 =	simm.s32 $0x18B80;
	s11 =	simm.s32 $0x0;
	[sflag:s4] =	ssyncadd.s32 $0xFFFFD800  }
0xe0: {  	s12 =	sadd.s32 $0x0, s14;
	s13 =	simm.s32 $0x20;
	[bflag:$0x0] =	sbarrier.arrive $0xFFFF  }
0xe1: {  	s17 =	simm.s32 $0x30;
	s15 =	sand.u32 $0x7F80, s12;
	s7 =	rddreg [dreg:$0xe]  }
0xe2: {  	[tilespmem:s10], [sflag:$0x1] =	stream.strided.gather [spmem:s7], $0x2800, s9, s8, $0x38;
	[tilespmem:$0x1E080] =	vst v63  }
0xe3: {  	s2 =	sand.u32 $0x40, s11;
	s8 =	sand.u32 $0x1C00, s11;
	_ =	swait.ge [sflag:s4], $0x2800  }
0xe4: {  	s7 =	sand.u32 $0x60, s13;
	s1 =	sor.u32 $0x1A300, s8;
	[sflag:s4] =	ssyncset.done $0x0  }
0xe5: {  	s9 =	sadd.s32 $0x13B80, s15;
	s16 =	sor.u32 s7, s1;
	[sflag:s4] =	ssyncadd.s32 $0xFFFFD800  }
0xe6: {  	s0 =	sand.u32 $0x70, s17;
	s3 =	sor.u32 s2, s9;
	v3 =	vld [tilespmem:s16+$0x0]  }
0xe7: {  	s5 =	sor.u32 $0x1A100, s8;
	s19 =	sor.u32 s0, s9;
	v4 =	vld [tilespmem:s3+$0x0]  }
0xe8: {  	s11 =	sor.u32 s7, s5;
	v6 =	vld [tilespmem:s19+$0x0]  }
0xe9: {  	s12 =	sor.u32 s7, s9;
	s21 =	sadd.s32 $0x18B80, s8;
	v7 =	vld [tilespmem:s11+$0x0]  }
0xea: {  	s23 =	sadd.s32 $0x19F80, s8;
	s24 =	sor.u32 s7, s21;
	v8 =	vld [tilespmem:s12+$0x0]  }
0xeb: {  	s25 =	sor.u32 s7, s23;
	v11 =	vld [tilespmem:s24+$0x380]  }
0xec: {  	v12 =	vld [tilespmem:s25+$0x0]  }
0xed: {  	v13 =	vld [tilespmem:s24+$0x300]  }
0xee: {  	v15 =	vld [tilespmem:s24+$0x280]  }
0xef: {  	v42 =	vld [tilespmem:s24+$0x200]  }
0xf0: {  	v43 =	vld [tilespmem:s24+$0x0]  }
0xf1: {  	v44 =	vld [tilespmem:s24+$0x180]  }
0xf2: {  	v45 =	vld [tilespmem:s24+$0x100]  }
0xf3: {  	s13 =	sor.u32 s0, s21;
	v46 =	vld [tilespmem:s24+$0x80]  }
0xf4: {  	v48 =	vld [tilespmem:s13+$0x300]  }
0xf5: {  	v24 =	vld [tilespmem:s13+$0x280]  }
0xf6: {  	v26 =	vld [tilespmem:s13+$0x200]  }
0xf7: {  	v27 =	vld [tilespmem:s13+$0x180]  }
0xf8: {  	v29 =	vld [tilespmem:s13+$0x100]  }
0xf9: {  	v32 =	vld [tilespmem:s13+$0x80]  }
0xfa: {  	s20 =	sor.u32 $0x1A000, s8;
	v33 =	vld [tilespmem:s13+$0x0]  }
0xfb: {  	s29 =	sor.u32 $0x1A080, s8;
	s30 =	sor.u32 s7, s20;
	v34 =	vld [tilespmem:s13+$0x380]  }
0xfc: {  	s31 =	sor.u32 s7, s29;
	v35 =	vld [tilespmem:s30+$0x0]  }
0xfd: {  	s17 =	sor.u32 s2, s20;
	s4 =	sor.u32 $0x1A180, s8;
	v50 =	vld [tilespmem:s31+$0x0]  }
0xfe: {  	s18 =	sor.u32 s7, s4;
	v59 =	vld [tilespmem:s17+$0x0]  }
0xff: {  	s6 =	sor.u32 s2, s4;
	v5 =	vld [tilespmem:s18+$0x0]  }
0x100: {  	s11 =	sor.u32 s2, s21;
	v2 =	vld [tilespmem:s6+$0x0]  }
0x101: {  	s13 =	sor.u32 s0, s23;
	v51 =	vld [tilespmem:s11+$0x0]  }
0x102: {  	v36 =	vld [tilespmem:s13+$0x0]  }
0x103: {  	s10 =	simm.s32 $0x10;
	v52 =	vld [tilespmem:s11+$0x80]  }
0x104: {  	s3 =	sand.u32 $0x50, s10;
	v53 =	vld [tilespmem:s11+$0x280]  }
0x105: {  	s22 =	sor.u32 s3, s9;
	v54 =	vld [tilespmem:s11+$0x100]  }
0x106: {  	s26 =	sor.u32 s3, s21;
	v10 =	vld [tilespmem:s22+$0x0];
	v8 =	vadd.f32 v43, v8  }
0x107: {  	v31 =	vld [tilespmem:s26+$0x0]  }
0x108: {  	v55 =	vld [tilespmem:s11+$0x200];
	v8 =	vadd.f32 v46, v8  }
0x109: {  	v30 =	vld [tilespmem:s26+$0x80]  }
0x10a: {  	v56 =	vld [tilespmem:s11+$0x180];
	v8 =	vadd.f32 v45, v8  }
0x10b: {  	v28 =	vld [tilespmem:s26+$0x100]  }
0x10c: {  	v57 =	vld [tilespmem:s11+$0x380];
	v10 =	vadd.f32 v31, v10;
	v8 =	vadd.f32 v44, v8  }
0x10d: {  	s16 =	sor.u32 s0, s20;
	v25 =	vld [tilespmem:s26+$0x180]  }
0x10e: {  	v58 =	vld [tilespmem:s16+$0x0];
	v10 =	vadd.f32 v30, v10;
	v8 =	vadd.f32 v42, v8  }
0x10f: {  	s10 =	sor.u32 s3, s20;
	v49 =	vld [tilespmem:s26+$0x200];
	v6 =	vadd.f32 v33, v6;
	v4 =	vadd.f32 v51, v4  }
0x110: {  	v9 =	vld [tilespmem:s10+$0x0];
	v10 =	vadd.f32 v28, v10;
	v8 =	vadd.f32 v15, v8  }
0x111: {  	v14 =	vld [tilespmem:s26+$0x280];
	v6 =	vadd.f32 v32, v6;
	v4 =	vadd.f32 v52, v4  }
0x112: {  	v41 =	vld [tilespmem:s26+$0x380];
	v10 =	vadd.f32 v25, v10;
	v8 =	vadd.f32 v13, v8  }
0x113: {  	s20 =	sor.u32 s2, s29;
	v47 =	vld [tilespmem:s26+$0x300];
	v6 =	vadd.f32 v29, v6;
	v4 =	vadd.f32 v54, v4  }
0x114: {  	s21 =	sor.u32 s0, s29;
	v60 =	vld [tilespmem:s20+$0x0];
	v10 =	vadd.f32 v49, v10;
	v8 =	vadd.f32 v11, v8  }
0x115: {  	v61 =	vld [tilespmem:s21+$0x0];
	v6 =	vadd.f32 v27, v6;
	v4 =	vadd.f32 v56, v4  }
0x116: {  	s9 =	sor.u32 s3, s23;
	v15 =	vld [tilespmem:s11+$0x300];
	v10 =	vadd.f32 v14, v10;
	v8 =	vadd.f32 v12, v8  }
0x117: {  	s22 =	sor.u32 s3, s29;
	v6 =	vadd.f32 v26, v6;
	v4 =	vadd.f32 v55, v4;
	v11 =	vld [tilespmem:s9+$0x0]  }
0x118: {  	s15 =	sor.u32 s2, s23;
	s18 =	sor.u32 $0x1A200, s8;
	s8 =	sor.u32 $0x1A280, s8;
	v62 =	vld [tilespmem:s22+$0x0];
	v10 =	vadd.f32 v47, v10;
	v8 =	vadd.f32 v35, v8  }
0x119: {  	s19 =	sor.u32 s7, s18;
	s7 =	sor.u32 s7, s8;
	v6 =	vadd.f32 v24, v6;
	v4 =	vadd.f32 v53, v4;
	v13 =	vld [tilespmem:s15+$0x0]  }
0x11a: {  	v14 =	vld [tilespmem:s7+$0x0];
	v10 =	vadd.f32 v41, v10;
	v8 =	vadd.f32 v50, v8  }
0x11b: {  	s23 =	sor.u32 s0, s5;
	v6 =	vadd.f32 v48, v6;
	v4 =	vadd.f32 v15, v4;
	v12 =	vld [tilespmem:s19+$0x0]  }
0x11c: {  	s24 =	sor.u32 s3, s5;
	v15 =	vld [tilespmem:s23+$0x0];
	v10 =	vadd.f32 v11, v10;
	v7 =	vadd.f32 v7, v8  }
0x11d: {  	s5 =	sor.u32 s2, s5;
	v6 =	vadd.f32 v34, v6;
	v4 =	vadd.f32 v57, v4;
	v8 =	vld [tilespmem:s24+$0x0]  }
0x11e: {  	s25 =	sor.u32 s3, s4;
	v11 =	vld [tilespmem:s5+$0x0];
	v9 =	vadd.f32 v9, v10;
	v5 =	vadd.f32 v5, v7  }
0x11f: {  	s4 =	sor.u32 s0, s4;
	v6 =	vadd.f32 v36, v6;
	v4 =	vadd.f32 v13, v4;
	v13 =	vld [tilespmem:s25+$0x0]  }
0x120: {  	s26 =	sor.u32 s0, s8;
	v9 =	vadd.f32 v62, v9;
	v7 =	vld [tilespmem:s4+$0x0];
	v10 =	vadd.f32 v12, v5  }
0x121: {  	s29 =	sor.u32 s2, s8;
	v6 =	vadd.f32 v58, v6;
	v12 =	vadd.f32 v59, v4;
	v4 =	vld [tilespmem:s26+$0x0]  }
0x122: {  	s28 =	sor.u32 s2, s1;
	s30 =	sor.u32 s2, s18;
	v5 =	vld [tilespmem:s29+$0x0];
	v9 =	vadd.f32 v8, v9;
	v14 =	vadd.f32 v14, v10  }
0x123: {  	s21 =	simm.s32 $0x1B3A0;
	s25 =	sor.u32 s0, s1;
	s0 =	sor.u32 s0, s18;
	v63 =	vadd.f32 v61, v6;
	v8 =	vld [tilespmem:s30+$0x0];
	v12 =	vadd.f32 v60, v12  }
0x124: {  	s2 =	simm.s32 $0x40;
	s31 =	sor.u32 s3, s18;
	s22 =	simm.s32 $0x200;
	v10 =	vld [tilespmem:s0+$0x0];
	v9 =	vadd.f32 v13, v9;
	v6 =	vadd.f32 v3, v14  }
0x125: {  	s23 =	simm.s32 $0x1B3E0;
	s24 =	sor.u32 s3, s1;
	s0 =	sor.u32 s3, s8;
	v12 =	vadd.f32 v11, v12;
	v11 =	vld [tilespmem:s31+$0x0];
	v3 =	vadd.f32 v15, v63  }
.LBB2_10:
0x126: {  	s1 =	sadd.s32 s2, s14;
	v13 =	vld [tilespmem:s28+$0x0]  }
0x127: {  	s29 =	sand.u32 $0x1C00, s22;
	s1 =	sand.u32 $0x7F80, s1;
	v2 =	vadd.f32 v2, v12;
	v12 =	vld [tilespmem:s0+$0x0]  }
0x128: {  	s3 =	sadd.s32 $0x20, s2;
	s26 =	sand.u32 $0x40, s2;
	v14 =	vld [tilespmem:s25+$0x0];
	s6 =	sadd.s32 $0x13B80, s1  }
0x129: {  	s18 =	sor.u32 $0x1A300, s29;
	s30 =	sand.u32 $0x60, s3;
	s16 =	sor.u32 s26, s6;
	v3 =	vadd.f32 v7, v3;
	v2 =	vadd.f32 v8, v2;
	v8 =	vld [tilespmem:s24+$0x0]  }
0x12a: {  	s3 =	sor.u32 $0x1A180, s29;
	s17 =	sor.u32 s30, s18;
	v9 =	vadd.f32 v11, v9;
	v7 =	vld [tilespmem:s16+$0x0]  }
0x12b: {  	s7 =	sor.u32 s26, s3;
	v10 =	vadd.f32 v10, v3;
	v3 =	vld [tilespmem:s17+$0x0]  }
0x12c: {  	s10 =	sadd.s32 $0x18B80, s29;
	s20 =	sor.u32 s30, s3;
	v5 =	vadd.f32 v5, v2;
	v9 =	vadd.f32 v12, v9;
	v2 =	vld [tilespmem:s7+$0x0]  }
0x12d: {  	s0 =	sor.u32 s30, s10;
	v10 =	vadd.f32 v4, v10;
	v4 =	vld [tilespmem:s20+$0x0];
	[tilespmem:s21+$0x0] =	vst v6  }
0x12e: {  	s12 =	sadd.s32 $0x19F80, s29;
	v8 =	vadd.f32 v8, v9;
	v9 =	vld [tilespmem:s0+$0x380]  }
0x12f: {  	s14 =	sor.u32 s30, s12;
	v11 =	vld [tilespmem:s0+$0x300]  }
0x130: {  	v15 =	vld [tilespmem:s14+$0x0]  }
0x131: {  	v20 =	vld [tilespmem:s0+$0x200]  }
0x132: {  	v22 =	vld [tilespmem:s0+$0x0]  }
0x133: {  	v23 =	vld [tilespmem:s0+$0x180]  }
0x134: {  	s19 =	sadd.s32 $0x30, s2;
	s13 =	sor.u32 $0x1A080, s29;
	v26 =	vld [tilespmem:s0+$0x100]  }
0x135: {  	s1 =	sand.u32 $0x70, s19;
	s15 =	sor.u32 s30, s13;
	v49 =	vld [tilespmem:s0+$0x80]  }
0x136: {  	s9 =	sor.u32 s1, s6;
	s24 =	sor.u32 $0x1A100, s29;
	v5 =	vadd.f32 v13, v5;
	v55 =	vld [tilespmem:s15+$0x0]  }
0x137: {  	s20 =	sor.u32 s30, s24;
	v6 =	vadd.f32 v14, v10;
	v10 =	vld [tilespmem:s9+$0x0]  }
0x138: {  	[tilespmem:s21+$0xFFFFFFE0] =	vst v5;
	v5 =	vld [tilespmem:s20+$0x0]  }
0x139: {  	s8 =	sor.u32 s30, s6;
	v14 =	vld [tilespmem:s0+$0x280]  }
0x13a: {  	s7 =	sor.u32 s26, s10;
	[tilespmem:s21+$0xFFFFFFF0] =	vst v8;
	v8 =	vld [tilespmem:s8+$0x0]  }
0x13b: {  	v19 =	vld [tilespmem:s7+$0x280]  }
0x13c: {  	v21 =	vld [tilespmem:s7+$0x200]  }
0x13d: {  	v31 =	vld [tilespmem:s7+$0x180]  }
0x13e: {  	v34 =	vld [tilespmem:s7+$0x100]  }
0x13f: {  	s4 =	smov.u32 s2;
	v35 =	vld [tilespmem:s7+$0x0]  }
0x140: {  	s4 =	sadd.s32 $0x10, s2;
	v53 =	vld [tilespmem:s7+$0x80]  }
0x141: {  	s5 =	sor.u32 $0x1A000, s29;
	s4 =	sand.u32 $0x50, s4;
	v36 =	vld [tilespmem:s7+$0x300]  }
0x142: {  	s16 =	sor.u32 s4, s5;
	v57 =	vld [tilespmem:s7+$0x380]  }
0x143: {  	s31 =	sor.u32 s4, s6;
	[tilespmem:s21+$0x10] =	vst v6;
	v6 =	vld [tilespmem:s16+$0x0]  }
0x144: {  	s11 =	sor.u32 s4, s10;
	v12 =	vld [tilespmem:s31+$0x0]  }
0x145: {  	v13 =	vld [tilespmem:s11+$0x280]  }
0x146: {  	v16 =	vld [tilespmem:s11+$0x380]  }
0x147: {  	v17 =	vld [tilespmem:s11+$0x300]  }
0x148: {  	v25 =	vld [tilespmem:s11+$0x180]  }
0x149: {  	v29 =	vld [tilespmem:s11+$0x100]  }
0x14a: {  	v32 =	vld [tilespmem:s11+$0x80];
	v8 =	vadd.f32 v22, v8  }
0x14b: {  	v33 =	vld [tilespmem:s11+$0x0]  }
0x14c: {  	s19 =	sor.u32 s4, s12;
	v52 =	vld [tilespmem:s11+$0x200];
	v8 =	vadd.f32 v49, v8  }
0x14d: {  	s6 =	sor.u32 s1, s10;
	v58 =	vld [tilespmem:s19+$0x0]  }
0x14e: {  	s8 =	sor.u32 s26, s5;
	v51 =	vld [tilespmem:s6+$0x0];
	v8 =	vadd.f32 v26, v8  }
0x14f: {  	s10 =	sor.u32 s1, s12;
	s9 =	sor.u32 s26, s12;
	v59 =	vld [tilespmem:s8+$0x0]  }
0x150: {  	s20 =	sor.u32 s30, s5;
	s12 =	sor.u32 s1, s5;
	s5 =	sor.u32 s4, s13;
	v50 =	vld [tilespmem:s6+$0x80];
	v12 =	vadd.f32 v33, v12;
	v8 =	vadd.f32 v23, v8  }
0x151: {  	v61 =	vld [tilespmem:s5+$0x0]  }
0x152: {  	v30 =	vld [tilespmem:s6+$0x100];
	v12 =	vadd.f32 v32, v12;
	v8 =	vadd.f32 v20, v8  }
0x153: {  	v18 =	vld [tilespmem:s6+$0x300];
	v7 =	vadd.f32 v35, v7;
	v10 =	vadd.f32 v51, v10  }
0x154: {  	v28 =	vld [tilespmem:s6+$0x180];
	v12 =	vadd.f32 v29, v12;
	v8 =	vadd.f32 v14, v8  }
0x155: {  	v24 =	vld [tilespmem:s6+$0x280];
	v7 =	vadd.f32 v53, v7;
	v10 =	vadd.f32 v50, v10  }
0x156: {  	v27 =	vld [tilespmem:s6+$0x200];
	v12 =	vadd.f32 v25, v12;
	v8 =	vadd.f32 v11, v8  }
0x157: {  	v7 =	vadd.f32 v34, v7;
	v10 =	vadd.f32 v30, v10;
	v14 =	vld [tilespmem:s20+$0x0]  }
0x158: {  	v54 =	vld [tilespmem:s6+$0x380];
	v12 =	vadd.f32 v52, v12;
	v8 =	vadd.f32 v9, v8  }
0x159: {  	s16 =	sor.u32 s1, s13;
	v56 =	vld [tilespmem:s10+$0x0];
	v7 =	vadd.f32 v31, v7;
	v10 =	vadd.f32 v28, v10  }
0x15a: {  	s17 =	sor.u32 s26, s13;
	s31 =	sor.u32 s4, s3;
	s13 =	sor.u32 s1, s24;
	v60 =	vld [tilespmem:s16+$0x0];
	v12 =	vadd.f32 v13, v12;
	v8 =	vadd.f32 v15, v8  }
0x15b: {  	[dreg:$0x9] =	wrdreg s31;
	s31 =	sor.u32 s26, s24;
	v62 =	vld [tilespmem:s13+$0x0];
	v7 =	vadd.f32 v21, v7;
	v10 =	vadd.f32 v27, v10  }
0x15c: {  	v63 =	vld [tilespmem:s31+$0x0];
	v12 =	vadd.f32 v17, v12;
	v8 =	vadd.f32 v14, v8  }
0x15d: {  	v7 =	vadd.f32 v19, v7;
	v11 =	vld [tilespmem:s9+$0x0];
	s9 =	sor.u32 $0x1A200, s29;
	v10 =	vadd.f32 v24, v10  }
0x15e: {  	s25 =	sor.u32 s4, s24;
	s10 =	sor.u32 $0x1A280, s29;
	s11 =	sor.u32 s30, s9;
	v9 =	vld [tilespmem:s12+$0x0];
	v12 =	vadd.f32 v16, v12;
	v8 =	vadd.f32 v55, v8  }
0x15f: {  	[dreg:$0x7] =	wrdreg s25;
	s20 =	sor.u32 s30, s10;
	v7 =	vadd.f32 v36, v7;
	v13 =	vld [tilespmem:s11+$0x0];
	v10 =	vadd.f32 v18, v10  }
0x160: {  	s30 =	rddreg [dreg:$0x7];
	v12 =	vadd.f32 v58, v12;
	v14 =	vld [tilespmem:s20+$0x0];
	v5 =	vadd.f32 v5, v8  }
0x161: {  	v7 =	vadd.f32 v57, v7;
	v10 =	vadd.f32 v54, v10;
	v8 =	vld [tilespmem:s30+$0x0]  }
0x162: {  	s31 =	rddreg [dreg:$0x9];
	v15 =	vld [tilespmem:s17+$0x0];
	v6 =	vadd.f32 v6, v12;
	v4 =	vadd.f32 v4, v5  }
0x163: {  	p0 =	slt.u32 s2, $0x240;
	s3 =	sor.u32 s1, s3;
	v10 =	vadd.f32 v56, v10;
	v5 =	vadd.f32 v11, v7;
	v11 =	vld [tilespmem:s31+$0x0]  }
0x164: {  	s25 =	sor.u32 s1, s18;
	s12 =	sor.u32 s1, s9;
	s1 =	sor.u32 s1, s10;
	v6 =	vadd.f32 v61, v6;
	v7 =	vld [tilespmem:s3+$0x0];
	v12 =	vadd.f32 v13, v4  }
.Ltmp4:
0x165: {  	s29 =	sor.u32 s26, s10;
	v9 =	vadd.f32 v9, v10;
	v13 =	vadd.f32 v59, v5;
	v4 =	vld [tilespmem:s1+$0x0];
	(pc) =	sbr.rel @p0 .LBB2_10-.Ltmp4, $4  }
0x166: {  	s22 =	sadd.s32 $0x200, s22;
	s15 =	sor.u32 s26, s9;
	v5 =	vld [tilespmem:s29+$0x0];
	v6 =	vadd.f32 v8, v6;
	v10 =	vadd.f32 v14, v12  }
0x167: {  	s28 =	sor.u32 s26, s18;
	s14 =	rddreg [dreg:$0x6];
	s19 =	sor.u32 s4, s9;
	v8 =	vld [tilespmem:s15+$0x0];
	v12 =	vadd.f32 v15, v13;
	v13 =	vadd.f32 v60, v9  }
0x168: {  	s21 =	smov.u32 s23;
	s24 =	sor.u32 s4, s18;
	s18 =	sadd.s32 $0x40, s2;
	v9 =	vadd.f32 v11, v6;
	v11 =	vld [tilespmem:s19+$0x0];
	v6 =	vadd.f32 v3, v10  }
0x169: {  	s23 =	sadd.s32 $0x40, s23;
	s0 =	sor.u32 s4, s10;
	s2 =	smov.u32 s18;
	v10 =	vld [tilespmem:s12+$0x0];
	v12 =	vadd.f32 v63, v12;
	v3 =	vadd.f32 v62, v13  }
0x16a: {  	_ = 	snop  }
0x16b: {  	v59 =	vld [tilespmem:s0+$0x0];
	v2 =	vadd.f32 v2, v12  }
0x16c: {  	v13 =	vld [tilespmem:s28+$0x0]  }
0x16d: {  	v60 =	vld [tilespmem:s24+$0x0];
	v3 =	vadd.f32 v7, v3;
	v2 =	vadd.f32 v8, v2  }
0x16e: {  	v61 =	vld [tilespmem:s25+$0x0];
	v9 =	vadd.f32 v11, v9  }
0x16f: {  	v3 =	vadd.f32 v10, v3;
	v2 =	vadd.f32 v5, v2  }
0x170: {  	v62 =	vadd.f32 v59, v9  }
0x171: {  	v3 =	vadd.f32 v4, v3;
	v2 =	vadd.f32 v13, v2  }
0x172: {  	[tilespmem:s21+$0x0] =	vst v6;
	v63 =	vadd.f32 v60, v62  }
0x173: {  	v3 =	vadd.f32 v61, v3;
	[tilespmem:s21+$0xFFFFFFE0] =	vst v2  }
0x174: {  	[tilespmem:s21+$0xFFFFFFF0] =	vst v63  }
0x175: {  	[tilespmem:s21+$0x10] =	vst v3  }
0x176: {  	s1 =	simm.s32 $0x1B380;
	s4 =	simm.s32 $0x1;
	s30 =	rddreg [dreg:$0xf]  }
0x177: {  	[spmem:s30] =	stream.linear.scatter [tilespmem:s1], [sflag:$0x1], $0x280, $0x38;
	[tilespmem:$0x1E080] =	vst v63  }
0x178: {  	_ =	swait.ge [sflag:s4], $0x280  }
0x179: {  	[sflag:s4] =	ssyncset.done $0x0  }
0x17a: {  	[sflag:s4] =	ssyncadd.s32 $0xFFFFFD80  }
0x17b: {  	[bflag:$0x0] =	sbarrier.arrive $0xFFFF  }
0x17c: {  	s2 =	simm.s32 $0x11380;
	s31 =	rddreg [dreg:$0x4]  }
0x17d: {  	[tilespmem:s2], [sflag:$0x1] =	stream.linear.gather [spmem:s31], $0x2800, $0x38;
	[tilespmem:$0x1E080] =	vst v63  }
0x17e: {  	_ =	swait.ge [sflag:s4], $0x2800  }
0x17f: {  	[sflag:s4] =	ssyncset.done $0x0  }
0x180: {  	s0 =	simm.s32 $0x163C0;
	[sflag:s4] =	ssyncadd.s32 $0xFFFFD800  }
0x181: {  	[tilespmem:s0+$0xFFFFFFC0] =	vst v0  }
0x182: {  	[tilespmem:s0+$0x30] =	vst v0  }
0x183: {  	[tilespmem:s0+$0x20] =	vst v0  }
0x184: {  	[tilespmem:s0+$0x10] =	vst v0  }
0x185: {  	[tilespmem:s0+$0x0] =	vst v0  }
0x186: {  	[tilespmem:s0+$0xFFFFFFF0] =	vst v0  }
0x187: {  	s1 =	simm.s32 $0x0;
	[tilespmem:s0+$0xFFFFFFE0] =	vst v0  }
.LBB2_12:
0x188: {  	s1 =	sadd.s32 $0x80, s1;
	[tilespmem:s0+$0xFFFFFFD0] =	vst v0;
	s0 =	sadd.s32 $0x80, s0  }
0x189: {  	[tilespmem:s0+$0xFFFFFFC0] =	vst v0;
	p0 =	slt.u32 s1, $0x2780  }
0x18a: {  	[tilespmem:s0+$0x30] =	vst v0  }
.Ltmp5:
0x18b: {  	[tilespmem:s0+$0x20] =	vst v0;
	(pc) =	sbr.rel @p0 .LBB2_12-.Ltmp5, $4  }
0x18c: {  	[tilespmem:s0+$0x10] =	vst v0  }
0x18d: {  	[tilespmem:s0+$0x0] =	vst v0  }
0x18e: {  	[tilespmem:s0+$0xFFFFFFF0] =	vst v0  }
0x18f: {  	s22 =	simm.s32 $0x4ED0;
	s21 =	simm.s32 $0x50;
	[tilespmem:s0+$0xFFFFFFE0] =	vst v0  }
0x190: {  	[tilespmem:s0+$0xFFFFFFD0] =	vst v0  }
0x191: {  	v6 =	vld [tilespmem:s22+$0x40]  }
0x192: {  	v7 =	vld [tilespmem:s22+$0xFFFFFFB0]  }
0x193: {  	v8 =	vld [tilespmem:s22+$0xFFFFFFC0]  }
0x194: {  	v9 =	vld [tilespmem:s22+$0xFFFFFFD0]  }
0x195: {  	s1 =	simm.s32 $0x0;
	v10 =	vld [tilespmem:s22+$0xFFFFFFE0]  }
0x196: {  	s31 =	sand.u32 $0x7FE0, s1;
	v11 =	vld [tilespmem:s22+$0xFFFFFFF0]  }
0x197: {  	v3 =	vld [tilespmem:s31+$0x4F00]  }
0x198: {  	v13 =	vld [tilespmem:s22+$0x0]  }
0x199: {  	v15 =	vld [tilespmem:s22+$0x10]  }
0x19a: {  	v16 =	vld [tilespmem:s22+$0x20]  }
0x19b: {  	v18 =	vld [tilespmem:s21+$0x40]  }
0x19c: {  	v57 =	vld [tilespmem:s21+$0xFFFFFFB0];
	v4 =	vand.u32 $0xFFFF, v3  }
0x19d: {  	v58 =	vld [tilespmem:s21+$0xFFFFFFC0]  }
0x19e: {  	v59 =	vld [tilespmem:s21+$0xFFFFFFD0]  }
0x19f: {  	v22 =	vld [tilespmem:s21+$0xFFFFFFE0]  }
0x1a0: {  	v5 =	vld [tilespmem:s31+$0x80];
	v14 =	vand.u32 $0xFFFF, v7  }
0x1a1: {  	v4 =	vld.idx.msk [tilespmem:v4+s2+$0x0], $0xffff  }
0x1a2: {  	v23 =	vld [tilespmem:s21+$0xFFFFFFF0]  }
0x1a3: {  	v24 =	vld [tilespmem:s21+$0x0];
	v3 =	vshrl.u32 v3, $0x10  }
0x1a4: {  	v60 =	vld [tilespmem:s21+$0x10];
	v12 =	vand.u32 $0xFFFF, v6  }
0x1a5: {  	s24 =	simm.s32 $0xA0;
	v17 =	vand.u32 $0xFFFF, v9;
	v14 =	vld.idx.msk [tilespmem:v14+s2+$0x0], $0xffff  }
0x1a6: {  	s23 =	sand.u32 $0x7FE0, s24;
	v61 =	vld [tilespmem:s21+$0x20];
	v19 =	vand.u32 $0xFFFF, v13;
	v4 =	vmul.f32 v5, v4  }
0x1a7: {  	s1 =	simm.s32 $0x16380;
	v2 =	vld [tilespmem:s23+$0x4F00];
	v7 =	vshrl.u32 v7, $0x10  }
0x1a8: {  	[tilespmem:v3+s1+$0x0] =	vst.idx.add.f32.msk $0xffff, v4;
	v3 =	vand.u32 $0xFFFF, v10  }
0x1a9: {  	v5 =	vand.u32 $0xFFFF, v8;
	v4 =	vld.idx.msk [tilespmem:v12+s2+$0x0], $0xffff  }
0x1aa: {  	v55 =	vand.u32 $0xFFFF, v11;
	v17 =	vld.idx.msk [tilespmem:v17+s2+$0x0], $0xffff;
	v14 =	vmul.f32 v57, v14  }
0x1ab: {  	v6 =	vshrl.u32 v6, $0x10;
	v56 =	vld.idx.msk [tilespmem:v19+s2+$0x0], $0xffff  }
0x1ac: {  	v20 =	vand.u32 $0xFFFF, v15;
	[tilespmem:v7+s1+$0x0] =	vst.idx.add.f32.msk $0xffff, v14  }
0x1ad: {  	v21 =	vand.u32 $0xFFFF, v16;
	v3 =	vld.idx.msk [tilespmem:v3+s2+$0x0], $0xffff  }
0x1ae: {  	v9 =	vshrl.u32 v9, $0x10;
	v5 =	vld.idx.msk [tilespmem:v5+s2+$0x0], $0xffff;
	v4 =	vmul.f32 v18, v4  }
0x1af: {  	v12 =	vld.idx.msk [tilespmem:v55+s2+$0x0], $0xffff;
	v10 =	vshrl.u32 v10, $0x10  }
0x1b0: {  	v8 =	vshrl.u32 v8, $0x10;
	[tilespmem:v6+s1+$0x0] =	vst.idx.add.f32.msk $0xffff, v4  }
0x1b1: {  	v13 =	vshrl.u32 v13, $0x10;
	v17 =	vmul.f32 v59, v17;
	v4 =	vld.idx.msk [tilespmem:v20+s2+$0x0], $0xffff  }
0x1b2: {  	v11 =	vshrl.u32 v11, $0x10;
	v6 =	vld.idx.msk [tilespmem:v21+s2+$0x0], $0xffff;
	v3 =	vmul.f32 v22, v3  }
0x1b3: {  	v7 =	vshrl.u32 v15, $0x10;
	[tilespmem:v9+s1+$0x0] =	vst.idx.add.f32.msk $0xffff, v17;
	v5 =	vmul.f32 v58, v5  }
0x1b4: {  	v62 =	vmul.f32 v24, v56;
	[tilespmem:v10+s1+$0x0] =	vst.idx.add.f32.msk $0xffff, v3;
	v3 =	vshrl.u32 v16, $0x10  }
0x1b5: {  	[tilespmem:v8+s1+$0x0] =	vst.idx.add.f32.msk $0xffff, v5;
	v5 =	vmul.f32 v23, v12  }
0x1b6: {  	[tilespmem:v13+s1+$0x0] =	vst.idx.add.f32.msk $0xffff, v62;
	v63 =	vmul.f32 v60, v4  }
0x1b7: {  	[tilespmem:v11+s1+$0x0] =	vst.idx.add.f32.msk $0xffff, v5;
	v5 =	vmul.f32 v61, v6;
	v4 =	vand.u32 $0xFFFF, v2  }
0x1b8: {  	[tilespmem:v7+s1+$0x0] =	vst.idx.add.f32.msk $0xffff, v63  }
.LBB2_14:
0x1b9: {  	s24 =	sadd.s32 $0xA0, s24;
	[tilespmem:v3+s1+$0x0] =	vst.idx.add.f32.msk $0xffff, v5  }
0x1ba: {  	v3 =	vld [tilespmem:s23+$0x80];
	s23 =	sand.u32 $0x7FE0, s24  }
0x1bb: {  	p0 =	slt.u32 s24, $0x4D80;
	v5 =	vld [tilespmem:s23+$0x4F00]  }
0x1bc: {  	s22 =	sadd.s32 $0xA0, s22;
	v4 =	vld.idx.msk [tilespmem:v4+s2+$0x0], $0xffff  }
0x1bd: {  	v6 =	vld [tilespmem:s22+$0x40]  }
0x1be: {  	v7 =	vld [tilespmem:s22+$0xFFFFFFB0]  }
0x1bf: {  	v8 =	vld [tilespmem:s22+$0xFFFFFFC0]  }
0x1c0: {  	v9 =	vld [tilespmem:s22+$0xFFFFFFD0]  }
0x1c1: {  	v11 =	vshrl.u32 v2, $0x10;
	v2 =	vmov v5;
	v10 =	vld [tilespmem:s22+$0xFFFFFFE0]  }
0x1c2: {  	v5 =	vld [tilespmem:s22+$0xFFFFFFF0];
	v12 =	vand.u32 $0xFFFF, v6  }
0x1c3: {  	v13 =	vshrl.u32 v7, $0x10;
	v7 =	vand.u32 $0xFFFF, v7;
	v14 =	vld [tilespmem:s22+$0x0]  }
0x1c4: {  	v3 =	vmul.f32 v3, v4;
	v15 =	vshrl.u32 v8, $0x10;
	v8 =	vand.u32 $0xFFFF, v8;
	v16 =	vld [tilespmem:s22+$0x10]  }
0x1c5: {  	v4 =	vshrl.u32 v9, $0x10;
	v9 =	vand.u32 $0xFFFF, v9;
	v17 =	vld [tilespmem:s22+$0x20]  }
0x1c6: {  	v18 =	vshrl.u32 v10, $0x10;
	v10 =	vand.u32 $0xFFFF, v10;
	[tilespmem:v11+s1+$0x0] =	vst.idx.add.f32.msk $0xffff, v3  }
0x1c7: {  	s21 =	sadd.s32 $0xA0, s21;
	v11 =	vshrl.u32 v5, $0x10;
	v5 =	vand.u32 $0xFFFF, v5;
	v12 =	vld.idx.msk [tilespmem:v12+s2+$0x0], $0xffff  }
0x1c8: {  	v19 =	vshrl.u32 v14, $0x10;
	v14 =	vand.u32 $0xFFFF, v14;
	v20 =	vld [tilespmem:s21+$0x40]  }
0x1c9: {  	v7 =	vld.idx.msk [tilespmem:v7+s2+$0x0], $0xffff;
	v21 =	vshrl.u32 v16, $0x10;
	v16 =	vand.u32 $0xFFFF, v16  }
0x1ca: {  	v6 =	vshrl.u32 v6, $0x10;
	v8 =	vld.idx.msk [tilespmem:v8+s2+$0x0], $0xffff;
	v3 =	vshrl.u32 v17, $0x10;
	v17 =	vand.u32 $0xFFFF, v17  }
0x1cb: {  	v9 =	vld.idx.msk [tilespmem:v9+s2+$0x0], $0xffff  }
0x1cc: {  	v10 =	vld.idx.msk [tilespmem:v10+s2+$0x0], $0xffff  }
0x1cd: {  	v5 =	vld.idx.msk [tilespmem:v5+s2+$0x0], $0xffff;
	v12 =	vmul.f32 v20, v12  }
0x1ce: {  	v14 =	vld.idx.msk [tilespmem:v14+s2+$0x0], $0xffff  }
0x1cf: {  	[tilespmem:v6+s1+$0x0] =	vst.idx.add.f32.msk $0xffff, v12  }
0x1d0: {  	v6 =	vld.idx.msk [tilespmem:v16+s2+$0x0], $0xffff  }
0x1d1: {  	v12 =	vld.idx.msk [tilespmem:v17+s2+$0x0], $0xffff  }
0x1d2: {  	v16 =	vld [tilespmem:s21+$0xFFFFFFB0]  }
0x1d3: {  	v17 =	vld [tilespmem:s21+$0xFFFFFFC0]  }
0x1d4: {  	v20 =	vld [tilespmem:s21+$0xFFFFFFD0]  }
0x1d5: {  	v22 =	vld [tilespmem:s21+$0xFFFFFFE0]  }
0x1d6: {  	v23 =	vld [tilespmem:s21+$0xFFFFFFF0]  }
0x1d7: {  	v7 =	vmul.f32 v16, v7;
	v16 =	vld [tilespmem:s21+$0x0]  }
0x1d8: {  	v8 =	vmul.f32 v17, v8;
	v17 =	vld [tilespmem:s21+$0x10]  }
0x1d9: {  	v9 =	vmul.f32 v20, v9;
	v20 =	vld [tilespmem:s21+$0x20]  }
0x1da: {  	[tilespmem:v13+s1+$0x0] =	vst.idx.add.f32.msk $0xffff, v7;
	v7 =	vmul.f32 v22, v10  }
0x1db: {  	[tilespmem:v15+s1+$0x0] =	vst.idx.add.f32.msk $0xffff, v8;
	v5 =	vmul.f32 v23, v5  }
.Ltmp6:
0x1dc: {  	[tilespmem:v4+s1+$0x0] =	vst.idx.add.f32.msk $0xffff, v9;
	v8 =	vmul.f32 v16, v14;
	(pc) =	sbr.rel @p0 .LBB2_14-.Ltmp6, $4  }
0x1dd: {  	[tilespmem:v18+s1+$0x0] =	vst.idx.add.f32.msk $0xffff, v7;
	v6 =	vmul.f32 v17, v6  }
0x1de: {  	[tilespmem:v11+s1+$0x0] =	vst.idx.add.f32.msk $0xffff, v5;
	v5 =	vmul.f32 v20, v12  }
0x1df: {  	v4 =	vand.u32 $0xFFFF, v2;
	[tilespmem:v19+s1+$0x0] =	vst.idx.add.f32.msk $0xffff, v8  }
0x1e0: {  	[tilespmem:v21+s1+$0x0] =	vst.idx.add.f32.msk $0xffff, v6  }
0x1e1: {  	_ =	sdelay $0x3  }
0x1e2: {  	[tilespmem:v3+s1+$0x0] =	vst.idx.add.f32.msk $0xffff, v5  }
0x1e3: {  	v3 =	vld [tilespmem:s23+$0x80]  }
0x1e4: {  	v4 =	vld.idx.msk [tilespmem:v4+s2+$0x0], $0xffff;
	s0 =	sadd.s32 $0xA0, s22  }
0x1e5: {  	v5 =	vld [tilespmem:s0+$0x40]  }
0x1e6: {  	v6 =	vld [tilespmem:s0+$0xFFFFFFB0]  }
0x1e7: {  	v7 =	vld [tilespmem:s0+$0xFFFFFFC0]  }
0x1e8: {  	v8 =	vld [tilespmem:s0+$0xFFFFFFD0]  }
0x1e9: {  	v9 =	vld [tilespmem:s0+$0xFFFFFFE0]  }
0x1ea: {  	v10 =	vld [tilespmem:s0+$0xFFFFFFF0]  }
0x1eb: {  	v12 =	vld [tilespmem:s0+$0x0]  }
0x1ec: {  	v14 =	vld [tilespmem:s0+$0x10]  }
0x1ed: {  	s31 =	sadd.s32 $0xA0, s21;
	v15 =	vld [tilespmem:s0+$0x20]  }
0x1ee: {  	v17 =	vld [tilespmem:s31+$0x40]  }
0x1ef: {  	v36 =	vld [tilespmem:s31+$0xFFFFFFB0]  }
0x1f0: {  	v37 =	vld [tilespmem:s31+$0xFFFFFFC0]  }
0x1f1: {  	v38 =	vld [tilespmem:s31+$0xFFFFFFD0]  }
0x1f2: {  	v2 =	vshrl.u32 v2, $0x10;
	v21 =	vld [tilespmem:s31+$0xFFFFFFE0]  }
0x1f3: {  	v22 =	vld [tilespmem:s31+$0xFFFFFFF0];
	v11 =	vand.u32 $0xFFFF, v5  }
0x1f4: {  	v23 =	vld [tilespmem:s31+$0x0];
	v13 =	vand.u32 $0xFFFF, v6  }
0x1f5: {  	v39 =	vld [tilespmem:s31+$0x10];
	v3 =	vmul.f32 v3, v4;
	v4 =	vand.u32 $0xFFFF, v7  }
0x1f6: {  	v40 =	vld [tilespmem:s31+$0x20];
	v16 =	vand.u32 $0xFFFF, v8  }
0x1f7: {  	v18 =	vand.u32 $0xFFFF, v12;
	[tilespmem:v2+s1+$0x0] =	vst.idx.add.f32.msk $0xffff, v3  }
0x1f8: {  	v2 =	vand.u32 $0xFFFF, v9;
	v3 =	vld.idx.msk [tilespmem:v11+s2+$0x0], $0xffff  }
0x1f9: {  	v11 =	vand.u32 $0xFFFF, v10;
	v13 =	vld.idx.msk [tilespmem:v13+s2+$0x0], $0xffff  }
0x1fa: {  	v5 =	vshrl.u32 v5, $0x10;
	v4 =	vld.idx.msk [tilespmem:v4+s2+$0x0], $0xffff  }
0x1fb: {  	v19 =	vand.u32 $0xFFFF, v14;
	v16 =	vld.idx.msk [tilespmem:v16+s2+$0x0], $0xffff  }
0x1fc: {  	v20 =	vand.u32 $0xFFFF, v15;
	v35 =	vld.idx.msk [tilespmem:v18+s2+$0x0], $0xffff  }
0x1fd: {  	v6 =	vshrl.u32 v6, $0x10;
	v2 =	vld.idx.msk [tilespmem:v2+s2+$0x0], $0xffff;
	v3 =	vmul.f32 v17, v3  }
0x1fe: {  	v7 =	vshrl.u32 v7, $0x10;
	v11 =	vld.idx.msk [tilespmem:v11+s2+$0x0], $0xffff  }
0x1ff: {  	v8 =	vshrl.u32 v8, $0x10;
	[tilespmem:v5+s1+$0x0] =	vst.idx.add.f32.msk $0xffff, v3  }
0x200: {  	v9 =	vshrl.u32 v9, $0x10;
	v13 =	vmul.f32 v36, v13;
	v3 =	vld.idx.msk [tilespmem:v19+s2+$0x0], $0xffff  }
0x201: {  	v12 =	vshrl.u32 v12, $0x10;
	v4 =	vmul.f32 v37, v4;
	v5 =	vld.idx.msk [tilespmem:v20+s2+$0x0], $0xffff  }
0x202: {  	v10 =	vshrl.u32 v10, $0x10;
	v16 =	vmul.f32 v38, v16;
	[tilespmem:v6+s1+$0x0] =	vst.idx.add.f32.msk $0xffff, v13  }
0x203: {  	v2 =	vmul.f32 v21, v2;
	v6 =	vshrl.u32 v14, $0x10;
	[tilespmem:v7+s1+$0x0] =	vst.idx.add.f32.msk $0xffff, v4  }
0x204: {  	v4 =	vshrl.u32 v15, $0x10;
	[tilespmem:v8+s1+$0x0] =	vst.idx.add.f32.msk $0xffff, v16;
	v8 =	vmul.f32 v23, v35  }
0x205: {  	[tilespmem:v9+s1+$0x0] =	vst.idx.add.f32.msk $0xffff, v2;
	v7 =	vmul.f32 v22, v11  }
0x206: {  	[tilespmem:v12+s1+$0x0] =	vst.idx.add.f32.msk $0xffff, v8;
	v2 =	vmul.f32 v39, v3  }
0x207: {  	[tilespmem:v10+s1+$0x0] =	vst.idx.add.f32.msk $0xffff, v7;
	v3 =	vmul.f32 v40, v5  }
0x208: {  	[tilespmem:v6+s1+$0x0] =	vst.idx.add.f32.msk $0xffff, v2  }
0x209: {  	[tilespmem:v4+s1+$0x0] =	vst.idx.add.f32.msk $0xffff, v3  }
0x20a: {  	s5 =	simm.s32 $0x80;
	s3 =	simm.s32 $0x400;
	s2 =	rddreg [dreg:$0xd]  }
0x20b: {  	[spmem:s2] =	stream.strided.scatter [tilespmem:s1], [sflag:$0x1], $0x2800, s3, s5, $0x38;
	[tilespmem:$0x1E080] =	vst v63  }
0x20c: {  	_ =	swait.ge [sflag:s4], $0x2800  }
0x20d: {  	s7 =	simm.s32 $0x1400;
	s8 =	simm.s32 $0x14000;
	[sflag:s4] =	ssyncset.done $0x0  }
0x20e: {  	s9 =	simm.s32 $0x18B80;
	s10 =	simm.s32 $0x0;
	[sflag:s4] =	ssyncadd.s32 $0xFFFFD800  }
0x20f: {  	s11 =	sadd.s32 $0x0, s14;
	s12 =	simm.s32 $0x20;
	[bflag:$0x0] =	sbarrier.arrive $0xFFFF  }
0x210: {  	s16 =	simm.s32 $0x30;
	s13 =	sand.u32 $0x7F80, s11;
	s6 =	rddreg [dreg:$0xe]  }
0x211: {  	[tilespmem:s9], [sflag:$0x1] =	stream.strided.gather [spmem:s6], $0x2800, s8, s7, $0x38;
	[tilespmem:$0x1E080] =	vst v63  }
0x212: {  	s2 =	sand.u32 $0x40, s10;
	s8 =	sand.u32 $0x1C00, s10;
	_ =	swait.ge [sflag:s4], $0x2800  }
0x213: {  	s7 =	sand.u32 $0x60, s12;
	s1 =	sor.u32 $0x1A300, s8;
	[sflag:s4] =	ssyncset.done $0x0  }
0x214: {  	s9 =	sadd.s32 $0x13B80, s13;
	s15 =	sor.u32 s7, s1;
	[sflag:s4] =	ssyncadd.s32 $0xFFFFD800  }
0x215: {  	s0 =	sand.u32 $0x70, s16;
	s3 =	sor.u32 s2, s9;
	v3 =	vld [tilespmem:s15+$0x0]  }
0x216: {  	s5 =	sor.u32 $0x1A100, s8;
	s18 =	sor.u32 s0, s9;
	v4 =	vld [tilespmem:s3+$0x0]  }
0x217: {  	s11 =	sor.u32 s7, s5;
	v6 =	vld [tilespmem:s18+$0x0]  }
0x218: {  	s12 =	sor.u32 s7, s9;
	s20 =	sadd.s32 $0x18B80, s8;
	v7 =	vld [tilespmem:s11+$0x0]  }
0x219: {  	s22 =	sadd.s32 $0x19F80, s8;
	s23 =	sor.u32 s7, s20;
	v8 =	vld [tilespmem:s12+$0x0]  }
0x21a: {  	s24 =	sor.u32 s7, s22;
	v11 =	vld [tilespmem:s23+$0x380]  }
0x21b: {  	v12 =	vld [tilespmem:s24+$0x0]  }
0x21c: {  	v13 =	vld [tilespmem:s23+$0x300]  }
0x21d: {  	v15 =	vld [tilespmem:s23+$0x280]  }
0x21e: {  	v42 =	vld [tilespmem:s23+$0x200]  }
0x21f: {  	v43 =	vld [tilespmem:s23+$0x0]  }
0x220: {  	v44 =	vld [tilespmem:s23+$0x180]  }
0x221: {  	v45 =	vld [tilespmem:s23+$0x100]  }
0x222: {  	s13 =	sor.u32 s0, s20;
	v46 =	vld [tilespmem:s23+$0x80]  }
0x223: {  	v48 =	vld [tilespmem:s13+$0x300]  }
0x224: {  	v24 =	vld [tilespmem:s13+$0x280]  }
0x225: {  	v26 =	vld [tilespmem:s13+$0x200]  }
0x226: {  	v27 =	vld [tilespmem:s13+$0x180]  }
0x227: {  	v29 =	vld [tilespmem:s13+$0x100]  }
0x228: {  	v32 =	vld [tilespmem:s13+$0x80]  }
0x229: {  	s19 =	sor.u32 $0x1A000, s8;
	v33 =	vld [tilespmem:s13+$0x0]  }
0x22a: {  	s26 =	sor.u32 $0x1A080, s8;
	s29 =	sor.u32 s7, s19;
	v34 =	vld [tilespmem:s13+$0x380]  }
0x22b: {  	s30 =	sor.u32 s7, s26;
	v35 =	vld [tilespmem:s29+$0x0]  }
0x22c: {  	s31 =	sor.u32 s0, s22;
	v50 =	vld [tilespmem:s30+$0x0]  }
0x22d: {  	s16 =	sor.u32 s2, s19;
	s4 =	sor.u32 $0x1A180, s8;
	v36 =	vld [tilespmem:s31+$0x0]  }
0x22e: {  	s17 =	sor.u32 s7, s4;
	v59 =	vld [tilespmem:s16+$0x0]  }
0x22f: {  	s6 =	sor.u32 s2, s4;
	v5 =	vld [tilespmem:s17+$0x0]  }
0x230: {  	s11 =	sor.u32 s2, s20;
	v2 =	vld [tilespmem:s6+$0x0]  }
0x231: {  	v51 =	vld [tilespmem:s11+$0x0]  }
0x232: {  	s10 =	simm.s32 $0x10;
	v52 =	vld [tilespmem:s11+$0x80]  }
0x233: {  	s3 =	sand.u32 $0x50, s10;
	v53 =	vld [tilespmem:s11+$0x280]  }
0x234: {  	s21 =	sor.u32 s3, s9;
	v54 =	vld [tilespmem:s11+$0x100]  }
0x235: {  	s25 =	sor.u32 s3, s20;
	v10 =	vld [tilespmem:s21+$0x0];
	v8 =	vadd.f32 v43, v8  }
0x236: {  	v31 =	vld [tilespmem:s25+$0x0]  }
0x237: {  	v55 =	vld [tilespmem:s11+$0x200];
	v8 =	vadd.f32 v46, v8  }
0x238: {  	v30 =	vld [tilespmem:s25+$0x80]  }
0x239: {  	v56 =	vld [tilespmem:s11+$0x180];
	v8 =	vadd.f32 v45, v8  }
0x23a: {  	v28 =	vld [tilespmem:s25+$0x100]  }
0x23b: {  	v57 =	vld [tilespmem:s11+$0x380];
	v10 =	vadd.f32 v31, v10;
	v8 =	vadd.f32 v44, v8  }
0x23c: {  	s15 =	sor.u32 s0, s19;
	v25 =	vld [tilespmem:s25+$0x180]  }
0x23d: {  	v58 =	vld [tilespmem:s15+$0x0];
	v10 =	vadd.f32 v30, v10;
	v8 =	vadd.f32 v42, v8  }
0x23e: {  	s10 =	sor.u32 s3, s19;
	v49 =	vld [tilespmem:s25+$0x200];
	v6 =	vadd.f32 v33, v6;
	v4 =	vadd.f32 v51, v4  }
0x23f: {  	v9 =	vld [tilespmem:s10+$0x0];
	v10 =	vadd.f32 v28, v10;
	v8 =	vadd.f32 v15, v8  }
0x240: {  	v14 =	vld [tilespmem:s25+$0x280];
	v6 =	vadd.f32 v32, v6;
	v4 =	vadd.f32 v52, v4  }
0x241: {  	v41 =	vld [tilespmem:s25+$0x380];
	v10 =	vadd.f32 v25, v10;
	v8 =	vadd.f32 v13, v8  }
0x242: {  	s20 =	sor.u32 s2, s26;
	v47 =	vld [tilespmem:s25+$0x300];
	v6 =	vadd.f32 v29, v6;
	v4 =	vadd.f32 v54, v4  }
0x243: {  	s13 =	sor.u32 s2, s22;
	s9 =	sor.u32 s3, s22;
	s22 =	sor.u32 s3, s26;
	v60 =	vld [tilespmem:s20+$0x0];
	v10 =	vadd.f32 v49, v10;
	v8 =	vadd.f32 v11, v8  }
0x244: {  	v62 =	vld [tilespmem:s22+$0x0];
	v6 =	vadd.f32 v27, v6;
	v4 =	vadd.f32 v56, v4  }
0x245: {  	v15 =	vld [tilespmem:s11+$0x300];
	v10 =	vadd.f32 v14, v10;
	v8 =	vadd.f32 v12, v8  }
0x246: {  	s21 =	sor.u32 s0, s26;
	v6 =	vadd.f32 v26, v6;
	v4 =	vadd.f32 v55, v4;
	v11 =	vld [tilespmem:s9+$0x0]  }
0x247: {  	s17 =	sor.u32 $0x1A200, s8;
	s8 =	sor.u32 $0x1A280, s8;
	v61 =	vld [tilespmem:s21+$0x0];
	v10 =	vadd.f32 v47, v10;
	v8 =	vadd.f32 v35, v8  }
0x248: {  	s19 =	sor.u32 s7, s17;
	s7 =	sor.u32 s7, s8;
	v6 =	vadd.f32 v24, v6;
	v4 =	vadd.f32 v53, v4;
	v13 =	vld [tilespmem:s13+$0x0]  }
0x249: {  	v14 =	vld [tilespmem:s7+$0x0];
	v10 =	vadd.f32 v41, v10;
	v8 =	vadd.f32 v50, v8  }
0x24a: {  	s23 =	sor.u32 s0, s5;
	v6 =	vadd.f32 v48, v6;
	v4 =	vadd.f32 v15, v4;
	v12 =	vld [tilespmem:s19+$0x0]  }
0x24b: {  	s24 =	sor.u32 s3, s5;
	v15 =	vld [tilespmem:s23+$0x0];
	v10 =	vadd.f32 v11, v10;
	v7 =	vadd.f32 v7, v8  }
0x24c: {  	s5 =	sor.u32 s2, s5;
	v6 =	vadd.f32 v34, v6;
	v4 =	vadd.f32 v57, v4;
	v8 =	vld [tilespmem:s24+$0x0]  }
0x24d: {  	s25 =	sor.u32 s3, s4;
	v11 =	vld [tilespmem:s5+$0x0];
	v9 =	vadd.f32 v9, v10;
	v5 =	vadd.f32 v5, v7  }
0x24e: {  	s4 =	sor.u32 s0, s4;
	v6 =	vadd.f32 v36, v6;
	v4 =	vadd.f32 v13, v4;
	v13 =	vld [tilespmem:s25+$0x0]  }
0x24f: {  	s26 =	sor.u32 s0, s8;
	v9 =	vadd.f32 v62, v9;
	v7 =	vld [tilespmem:s4+$0x0];
	v10 =	vadd.f32 v12, v5  }
0x250: {  	s29 =	sor.u32 s2, s8;
	v6 =	vadd.f32 v58, v6;
	v12 =	vadd.f32 v59, v4;
	v4 =	vld [tilespmem:s26+$0x0]  }
0x251: {  	s28 =	sor.u32 s2, s1;
	s30 =	sor.u32 s2, s17;
	v5 =	vld [tilespmem:s29+$0x0];
	v9 =	vadd.f32 v8, v9;
	v14 =	vadd.f32 v14, v10  }
0x252: {  	s18 =	simm.s32 $0x40;
	s25 =	sor.u32 s0, s1;
	s0 =	sor.u32 s0, s17;
	v63 =	vadd.f32 v61, v6;
	v8 =	vld [tilespmem:s30+$0x0];
	v12 =	vadd.f32 v60, v12  }
0x253: {  	s31 =	sor.u32 s3, s17;
	s22 =	simm.s32 $0x200;
	s21 =	simm.s32 $0x1B3A0;
	v10 =	vld [tilespmem:s0+$0x0];
	v9 =	vadd.f32 v13, v9;
	v6 =	vadd.f32 v3, v14  }
0x254: {  	s23 =	simm.s32 $0x1B3E0;
	s24 =	sor.u32 s3, s1;
	s0 =	sor.u32 s3, s8;
	v12 =	vadd.f32 v11, v12;
	v11 =	vld [tilespmem:s31+$0x0];
	v3 =	vadd.f32 v15, v63  }
.LBB2_16:
0x255: {  	s1 =	sadd.s32 s18, s14;
	v13 =	vld [tilespmem:s28+$0x0]  }
0x256: {  	s29 =	sand.u32 $0x1C00, s22;
	s3 =	sadd.s32 $0x20, s18;
	s1 =	sand.u32 $0x7F80, s1;
	v2 =	vadd.f32 v2, v12;
	v12 =	vld [tilespmem:s0+$0x0]  }
0x257: {  	s2 =	smov.u32 s18;
	s26 =	sand.u32 $0x40, s18;
	v14 =	vld [tilespmem:s25+$0x0];
	s6 =	sadd.s32 $0x13B80, s1  }
0x258: {  	s2 =	sor.u32 $0x1A300, s29;
	s30 =	sand.u32 $0x60, s3;
	s16 =	sor.u32 s26, s6;
	v3 =	vadd.f32 v7, v3;
	v2 =	vadd.f32 v8, v2;
	v8 =	vld [tilespmem:s24+$0x0]  }
0x259: {  	s3 =	sor.u32 $0x1A180, s29;
	s17 =	sor.u32 s30, s2;
	v9 =	vadd.f32 v11, v9;
	v7 =	vld [tilespmem:s16+$0x0]  }
0x25a: {  	s7 =	sor.u32 s26, s3;
	v10 =	vadd.f32 v10, v3;
	v3 =	vld [tilespmem:s17+$0x0]  }
0x25b: {  	s10 =	sadd.s32 $0x18B80, s29;
	s20 =	sor.u32 s30, s3;
	v5 =	vadd.f32 v5, v2;
	v9 =	vadd.f32 v12, v9;
	v2 =	vld [tilespmem:s7+$0x0]  }
0x25c: {  	s0 =	sor.u32 s30, s10;
	v10 =	vadd.f32 v4, v10;
	v4 =	vld [tilespmem:s20+$0x0];
	[tilespmem:s21+$0x0] =	vst v6  }
0x25d: {  	s12 =	sadd.s32 $0x19F80, s29;
	v8 =	vadd.f32 v8, v9;
	v9 =	vld [tilespmem:s0+$0x380]  }
0x25e: {  	s14 =	sor.u32 s30, s12;
	v11 =	vld [tilespmem:s0+$0x300]  }
0x25f: {  	v15 =	vld [tilespmem:s14+$0x0]  }
0x260: {  	v20 =	vld [tilespmem:s0+$0x200]  }
0x261: {  	v22 =	vld [tilespmem:s0+$0x0]  }
0x262: {  	v23 =	vld [tilespmem:s0+$0x180]  }
0x263: {  	s19 =	sadd.s32 $0x30, s18;
	s13 =	sor.u32 $0x1A080, s29;
	v26 =	vld [tilespmem:s0+$0x100]  }
0x264: {  	s1 =	sand.u32 $0x70, s19;
	s15 =	sor.u32 s30, s13;
	v49 =	vld [tilespmem:s0+$0x80]  }
0x265: {  	s9 =	sor.u32 s1, s6;
	s24 =	sor.u32 $0x1A100, s29;
	v5 =	vadd.f32 v13, v5;
	v55 =	vld [tilespmem:s15+$0x0]  }
0x266: {  	s20 =	sor.u32 s30, s24;
	v6 =	vadd.f32 v14, v10;
	v10 =	vld [tilespmem:s9+$0x0]  }
0x267: {  	[tilespmem:s21+$0xFFFFFFE0] =	vst v5;
	v5 =	vld [tilespmem:s20+$0x0]  }
0x268: {  	s8 =	sor.u32 s30, s6;
	v14 =	vld [tilespmem:s0+$0x280]  }
0x269: {  	s7 =	sor.u32 s26, s10;
	[tilespmem:s21+$0xFFFFFFF0] =	vst v8;
	v8 =	vld [tilespmem:s8+$0x0]  }
0x26a: {  	v19 =	vld [tilespmem:s7+$0x280]  }
0x26b: {  	v21 =	vld [tilespmem:s7+$0x200]  }
0x26c: {  	v31 =	vld [tilespmem:s7+$0x180]  }
0x26d: {  	v34 =	vld [tilespmem:s7+$0x100]  }
0x26e: {  	v35 =	vld [tilespmem:s7+$0x0]  }
0x26f: {  	s4 =	sadd.s32 $0x10, s18;
	v53 =	vld [tilespmem:s7+$0x80]  }
0x270: {  	s5 =	sor.u32 $0x1A000, s29;
	s4 =	sand.u32 $0x50, s4;
	v36 =	vld [tilespmem:s7+$0x300]  }
0x271: {  	s16 =	sor.u32 s4, s5;
	v57 =	vld [tilespmem:s7+$0x380]  }
0x272: {  	s31 =	sor.u32 s4, s6;
	[tilespmem:s21+$0x10] =	vst v6;
	v6 =	vld [tilespmem:s16+$0x0]  }
0x273: {  	s11 =	sor.u32 s4, s10;
	v12 =	vld [tilespmem:s31+$0x0]  }
0x274: {  	v13 =	vld [tilespmem:s11+$0x280]  }
0x275: {  	v16 =	vld [tilespmem:s11+$0x380]  }
0x276: {  	v17 =	vld [tilespmem:s11+$0x300]  }
0x277: {  	v25 =	vld [tilespmem:s11+$0x180]  }
0x278: {  	v29 =	vld [tilespmem:s11+$0x100]  }
0x279: {  	v32 =	vld [tilespmem:s11+$0x80];
	v8 =	vadd.f32 v22, v8  }
0x27a: {  	v33 =	vld [tilespmem:s11+$0x0]  }
0x27b: {  	s19 =	sor.u32 s4, s12;
	v52 =	vld [tilespmem:s11+$0x200];
	v8 =	vadd.f32 v49, v8  }
0x27c: {  	s6 =	sor.u32 s1, s10;
	v58 =	vld [tilespmem:s19+$0x0]  }
0x27d: {  	s8 =	sor.u32 s26, s5;
	v51 =	vld [tilespmem:s6+$0x0];
	v8 =	vadd.f32 v26, v8  }
0x27e: {  	s10 =	sor.u32 s1, s12;
	s9 =	sor.u32 s26, s12;
	v59 =	vld [tilespmem:s8+$0x0]  }
0x27f: {  	s20 =	sor.u32 s30, s5;
	s12 =	sor.u32 s1, s5;
	s5 =	sor.u32 s4, s13;
	v50 =	vld [tilespmem:s6+$0x80];
	v12 =	vadd.f32 v33, v12;
	v8 =	vadd.f32 v23, v8  }
0x280: {  	v61 =	vld [tilespmem:s5+$0x0]  }
0x281: {  	v30 =	vld [tilespmem:s6+$0x100];
	v12 =	vadd.f32 v32, v12;
	v8 =	vadd.f32 v20, v8  }
0x282: {  	v18 =	vld [tilespmem:s6+$0x300];
	v7 =	vadd.f32 v35, v7;
	v10 =	vadd.f32 v51, v10  }
0x283: {  	v28 =	vld [tilespmem:s6+$0x180];
	v12 =	vadd.f32 v29, v12;
	v8 =	vadd.f32 v14, v8  }
0x284: {  	v24 =	vld [tilespmem:s6+$0x280];
	v7 =	vadd.f32 v53, v7;
	v10 =	vadd.f32 v50, v10  }
0x285: {  	v27 =	vld [tilespmem:s6+$0x200];
	v12 =	vadd.f32 v25, v12;
	v8 =	vadd.f32 v11, v8  }
0x286: {  	v7 =	vadd.f32 v34, v7;
	v10 =	vadd.f32 v30, v10;
	v14 =	vld [tilespmem:s20+$0x0]  }
0x287: {  	v54 =	vld [tilespmem:s6+$0x380];
	v12 =	vadd.f32 v52, v12;
	v8 =	vadd.f32 v9, v8  }
0x288: {  	s16 =	sor.u32 s1, s13;
	v56 =	vld [tilespmem:s10+$0x0];
	v7 =	vadd.f32 v31, v7;
	v10 =	vadd.f32 v28, v10  }
0x289: {  	s17 =	sor.u32 s26, s13;
	s31 =	sor.u32 s4, s3;
	s13 =	sor.u32 s1, s24;
	v60 =	vld [tilespmem:s16+$0x0];
	v12 =	vadd.f32 v13, v12;
	v8 =	vadd.f32 v15, v8  }
0x28a: {  	[dreg:$0xa] =	wrdreg s31;
	s31 =	sor.u32 s26, s24;
	v62 =	vld [tilespmem:s13+$0x0];
	v7 =	vadd.f32 v21, v7;
	v10 =	vadd.f32 v27, v10  }
0x28b: {  	v63 =	vld [tilespmem:s31+$0x0];
	v12 =	vadd.f32 v17, v12;
	v8 =	vadd.f32 v14, v8  }
0x28c: {  	s10 =	sor.u32 $0x1A200, s29;
	v7 =	vadd.f32 v19, v7;
	v11 =	vld [tilespmem:s9+$0x0];
	v10 =	vadd.f32 v24, v10  }
0x28d: {  	s25 =	sor.u32 s4, s24;
	s11 =	sor.u32 $0x1A280, s29;
	v9 =	vld [tilespmem:s12+$0x0];
	s12 =	sor.u32 s30, s10;
	v12 =	vadd.f32 v16, v12;
	v8 =	vadd.f32 v55, v8  }
0x28e: {  	[dreg:$0x8] =	wrdreg s25;
	s20 =	sor.u32 s30, s11;
	v7 =	vadd.f32 v36, v7;
	v10 =	vadd.f32 v18, v10;
	v13 =	vld [tilespmem:s12+$0x0]  }
0x28f: {  	s30 =	rddreg [dreg:$0x8];
	v12 =	vadd.f32 v58, v12;
	v14 =	vld [tilespmem:s20+$0x0];
	v5 =	vadd.f32 v5, v8  }
0x290: {  	v7 =	vadd.f32 v57, v7;
	v10 =	vadd.f32 v54, v10;
	v8 =	vld [tilespmem:s30+$0x0]  }
0x291: {  	s31 =	rddreg [dreg:$0xa];
	v15 =	vld [tilespmem:s17+$0x0];
	v6 =	vadd.f32 v6, v12;
	v4 =	vadd.f32 v4, v5  }
0x292: {  	p0 =	slt.u32 s18, $0x240;
	s3 =	sor.u32 s1, s3;
	v10 =	vadd.f32 v56, v10;
	v5 =	vadd.f32 v11, v7;
	v11 =	vld [tilespmem:s31+$0x0]  }
0x293: {  	s25 =	sor.u32 s1, s2;
	s15 =	sor.u32 s1, s10;
	s1 =	sor.u32 s1, s11;
	v6 =	vadd.f32 v61, v6;
	v7 =	vld [tilespmem:s3+$0x0];
	v12 =	vadd.f32 v13, v4  }
.Ltmp7:
0x294: {  	s28 =	sor.u32 s26, s2;
	s29 =	sor.u32 s26, s11;
	v9 =	vadd.f32 v9, v10;
	v13 =	vadd.f32 v59, v5;
	v4 =	vld [tilespmem:s1+$0x0];
	(pc) =	sbr.rel @p0 .LBB2_16-.Ltmp7, $4  }
0x295: {  	s24 =	sor.u32 s4, s2;
	s2 =	sadd.s32 $0x40, s18;
	s18 =	sor.u32 s26, s10;
	v5 =	vld [tilespmem:s29+$0x0];
	v6 =	vadd.f32 v8, v6;
	v10 =	vadd.f32 v14, v12  }
0x296: {  	s19 =	sor.u32 s4, s10;
	v8 =	vld [tilespmem:s18+$0x0];
	v12 =	vadd.f32 v15, v13;
	v13 =	vadd.f32 v60, v9  }
0x297: {  	s22 =	sadd.s32 $0x200, s22;
	s14 =	rddreg [dreg:$0x6];
	s21 =	smov.u32 s23;
	v9 =	vadd.f32 v11, v6;
	v11 =	vld [tilespmem:s19+$0x0];
	v6 =	vadd.f32 v3, v10  }
0x298: {  	s23 =	sadd.s32 $0x40, s23;
	s0 =	sor.u32 s4, s11;
	s18 =	smov.u32 s2;
	v10 =	vld [tilespmem:s15+$0x0];
	v12 =	vadd.f32 v63, v12;
	v3 =	vadd.f32 v62, v13  }
0x299: {  	_ = 	snop  }
0x29a: {  	v62 =	vld [tilespmem:s0+$0x0];
	v2 =	vadd.f32 v2, v12  }
0x29b: {  	v13 =	vld [tilespmem:s28+$0x0]  }
0x29c: {  	v3 =	vadd.f32 v7, v3;
	v7 =	vld [tilespmem:s24+$0x0];
	v2 =	vadd.f32 v8, v2  }
0x29d: {  	v63 =	vld [tilespmem:s25+$0x0];
	v9 =	vadd.f32 v11, v9  }
0x29e: {  	v3 =	vadd.f32 v10, v3;
	v2 =	vadd.f32 v5, v2  }
0x29f: {  	v5 =	vadd.f32 v62, v9  }
0x2a0: {  	v3 =	vadd.f32 v4, v3;
	v2 =	vadd.f32 v13, v2  }
0x2a1: {  	[tilespmem:s21+$0x0] =	vst v6;
	v4 =	vadd.f32 v7, v5  }
0x2a2: {  	v3 =	vadd.f32 v63, v3;
	[tilespmem:s21+$0xFFFFFFE0] =	vst v2  }
0x2a3: {  	[tilespmem:s21+$0xFFFFFFF0] =	vst v4  }
0x2a4: {  	[tilespmem:s21+$0x10] =	vst v3  }
0x2a5: {  	s1 =	simm.s32 $0x1B380;
	s4 =	simm.s32 $0x1;
	s29 =	rddreg [dreg:$0xf]  }
0x2a6: {  	[spmem:s29] =	stream.linear.scatter [tilespmem:s1], [sflag:$0x1], $0x280, $0x38;
	[tilespmem:$0x1E080] =	vst v63  }
0x2a7: {  	_ =	swait.ge [sflag:s4], $0x280  }
0x2a8: {  	[sflag:s4] =	ssyncset.done $0x0  }
0x2a9: {  	[sflag:s4] =	ssyncadd.s32 $0xFFFFFD80  }
0x2aa: {  	[bflag:$0x0] =	sbarrier.arrive $0xFFFF  }
0x2ab: {  	s2 =	simm.s32 $0xEB80;
	s30 =	rddreg [dreg:$0x4]  }
0x2ac: {  	[tilespmem:s2], [sflag:$0x1] =	stream.linear.gather [spmem:s30], $0x2800, $0x38;
	[tilespmem:$0x1E080] =	vst v63  }
0x2ad: {  	_ =	swait.ge [sflag:s4], $0x2800  }
0x2ae: {  	[sflag:s4] =	ssyncset.done $0x0  }
0x2af: {  	s31 =	simm.s32 $0x0;
	[sflag:s4] =	ssyncadd.s32 $0xFFFFD800  }
0x2b0: {  	v3 =	vld [tilespmem:s31+$0xEB80]  }
0x2b1: {  	v4 =	vld [tilespmem:s31+$0x11380];
	_ =	sdelay $0x1  }
0x2b2: {  	s0 =	simm.s32 $0x40;
	v2 =	vimm.f32 $0.0e+00  }
.LBB2_18:
0x2b3: {  	p0 =	sne.s32 s0, $0x9FC0  }
.Ltmp8:
0x2b4: {  	s1 =	sshra.s32 s0, $0x2;
	(pc) =	sbr.rel @p0 .LBB2_18-.Ltmp8, $4  }
0x2b5: {  	s0 =	sadd.s32 $0x40, s0;
	vm0 =	vlt.f32 v3, v4;
	vm1 =	vgt.f32 v3, v4;
	v3 =	vld [tilespmem:s1+$0xEB80]  }
0x2b6: {  	v4 =	vld [tilespmem:s1+$0x11380];
	vm0 =	vmor vm1, vm0  }
0x2b7: {  	v5 =	vsel vm0, $0x3F800000, v1  }
0x2b8: {  	v2 =	vadd.f32 v5, v2  }
0x2b9: {  	_ =	sdelay $0x1  }
0x2ba: {  	vm0 =	vlt.f32 v3, v4;
	vm1 =	vgt.f32 v3, v4  }
0x2bb: {  	vm0 =	vmor vm1, vm0  }
0x2bc: {  	v3 =	vsel vm0, $0x3F800000, v1  }
0x2bd: {  	v2 =	vadd.f32 v3, v2;
	_ =	sdelay $0x1  }
0x2be: {  	(xrf0) =	vmax.scan.msk.f32 $0xffff, v2;
	_ =	sdelay $0x5  }
0x2bf: {  	v2, _, _ =	vpop (xrf0)  }
0x2c0: {  	(v2sf) =	vpush v2, $0xF;
	_ =	sdelay $0xd  }
0x2c1: {  	s1 =	rddreg [dreg:$0x10]  }
0x2c2: {  	p0 =	sgt.u32 s1, $0x2F;
	s0 =	spop (v2sf)  }
0x2c3: {  	p1 =	sne.f32 @!p0 s0, $0.0e+00;
	_ =	sdelay $0x1  }
0x2c4: {  	p0 =	por p0, !p1  }
.Ltmp9:
0x2c5: {  	_ = 	snop;
	(pc) =	sbr.rel @!p0 .LBB2_5-.Ltmp9, $2  }
0x2c6: {  	_ =	sdelay $0x2  }
0x2c7: {  	s3 =	simm.s32 $0x16380;
	s0 =	sadd.s32 $0x2, s1  }
0x2c8: {  	s0 =	simm.s32 $0xEBC0  }
0x2c9: {  	v3 =	vld [tilespmem:s0+$0x30]  }
0x2ca: {  	v4 =	vld [tilespmem:s0+$0xFFFFFFD0]  }
0x2cb: {  	v5 =	vld [tilespmem:s0+$0xFFFFFFE0]  }
0x2cc: {  	v2 =	vld [tilespmem:s0+$0xFFFFFFF0]  }
0x2cd: {  	v1 =	vld [tilespmem:s0+$0x0]  }
0x2ce: {  	v0 =	vld [tilespmem:s0+$0x10];
	v6 =	vmax.f32 v3, $1.000000000e-30  }
0x2cf: {  	v7 =	vmax.f32 v4, $1.000000000e-30;
	v3 =	vld [tilespmem:s0+$0x20];
	[tilespmem:s0+$0x30] =	vst v6  }
0x2d0: {  	s1 =	simm.s32 $0x0;
	s2 =	simm.s32 $0xEC40;
	v4 =	vld [tilespmem:s0+$0xFFFFFFC0];
	v5 =	vmax.f32 v5, $1.000000000e-30;
	[tilespmem:s0+$0xFFFFFFD0] =	vst v7  }
.LBB2_21:
0x2d1: {  	v6 =	vld [tilespmem:s2+$0x30];
	s1 =	sadd.s32 $0x80, s1;
	[tilespmem:s0+$0xFFFFFFE0] =	vst v5;
	v2 =	vmax.f32 v2, $1.000000000e-30  }
0x2d2: {  	v5 =	vld [tilespmem:s2+$0xFFFFFFD0];
	p0 =	slt.u32 s1, $0x2780;
	[tilespmem:s0+$0xFFFFFFF0] =	vst v2;
	v1 =	vmax.f32 v1, $1.000000000e-30  }
0x2d3: {  	v7 =	vld [tilespmem:s2+$0xFFFFFFE0];
	[tilespmem:s0+$0x0] =	vst v1;
	v0 =	vmax.f32 v0, $1.000000000e-30  }
.Ltmp10:
0x2d4: {  	v2 =	vld [tilespmem:s2+$0xFFFFFFF0];
	[tilespmem:s0+$0x10] =	vst v0;
	v0 =	vmax.f32 v3, $1.000000000e-30;
	(pc) =	sbr.rel @p0 .LBB2_21-.Ltmp10, $4  }
0x2d5: {  	v1 =	vld [tilespmem:s2+$0x0];
	v3 =	vmax.f32 v4, $1.000000000e-30;
	[tilespmem:s0+$0x20] =	vst v0  }
0x2d6: {  	v0 =	vld [tilespmem:s2+$0x10];
	v4 =	vmax.f32 v6, $1.000000000e-30;
	[tilespmem:s0+$0xFFFFFFC0] =	vst v3;
	s0 =	smov.u32 s2  }
0x2d7: {  	v5 =	vmax.f32 v5, $1.000000000e-30;
	v3 =	vld [tilespmem:s2+$0x20];
	[tilespmem:s2+$0x30] =	vst v4  }
0x2d8: {  	s2 =	sadd.s32 $0x80, s2;
	v4 =	vld [tilespmem:s0+$0xFFFFFFC0];
	[tilespmem:s0+$0xFFFFFFD0] =	vst v5;
	v5 =	vmax.f32 v7, $1.000000000e-30  }
0x2d9: {  	[tilespmem:s0+$0xFFFFFFE0] =	vst v5;
	v2 =	vmax.f32 v2, $1.000000000e-30  }
0x2da: {  	[tilespmem:s0+$0xFFFFFFF0] =	vst v2;
	v1 =	vmax.f32 v1, $1.000000000e-30  }
0x2db: {  	[tilespmem:s0+$0x0] =	vst v1;
	v0 =	vmax.f32 v0, $1.000000000e-30  }
0x2dc: {  	[tilespmem:s0+$0x10] =	vst v0;
	v0 =	vmax.f32 v3, $1.000000000e-30  }
0x2dd: {  	v1 =	vmax.f32 v4, $1.000000000e-30;
	[tilespmem:s0+$0x20] =	vst v0  }
0x2de: {  	[tilespmem:s0+$0xFFFFFFC0] =	vst v1  }
0x2df: {  	s1 =	sshrl.u32 s14, $0x3;
	s29 =	sadd.s32 $0xEB80, s14;
	s0 =	rddreg [dreg:$0xc]  }
0x2e0: {  	s2 =	simm.s32 $0x0;
	s30 =	simm.s32 $0x1;
	s0 =	sadd.s32 s0, s1  }
0x2e1: {  	[hbm4b:s0+s2] =	stream.linear.scatter [tilespmem:s29], [sflag:$0x1], $0x280, $0x38;
	[tilespmem:$0x1E080] =	vst v63  }
0x2e2: {  	_ =	swait.ge [sflag:s30], $0x280  }
0x2e3: {  	[sflag:s30] =	ssyncset.done $0x0  }
0x2e4: {  	s31 =	simm.s32 $0x4EC0;
	[sflag:s30] =	ssyncadd.s32 $0xFFFFFD80  }
0x2e5: {  	v0 =	vld [tilespmem:s31+$0x30];
	_ =	sdelay $0x2  }
0x2e6: {  	v1 =	vld [tilespmem:s31+$0xFFFFFFD0]  }
0x2e7: {  	v2 =	vld [tilespmem:s31+$0xFFFFFFE0]  }
0x2e8: {  	v3 =	vld [tilespmem:s31+$0xFFFFFFF0];
	v6 =	vshrl.u32 v0, $0x10  }
0x2e9: {  	v4 =	vld [tilespmem:s31+$0x0]  }
0x2ea: {  	v5 =	vld [tilespmem:s31+$0x10]  }
0x2eb: {  	v9 =	vld [tilespmem:s31+$0x20];
	v7 =	vshrl.u32 v1, $0x10  }
0x2ec: {  	s5 =	simm.s32 $0xEB80;
	v8 =	vld [tilespmem:s31+$0xFFFFFFC0];
	v10 =	vshrl.u32 v2, $0x10  }
0x2ed: {  	v11 =	vshrl.u32 v3, $0x10;
	v6 =	vld.idx.msk [tilespmem:v6+s5+$0x0], $0xffff  }
0x2ee: {  	s4 =	simm.s32 $0x40;
	v12 =	vshrl.u32 v4, $0x10  }
0x2ef: {  	v17 =	vld [tilespmem:s4+$0xFFFFFFC0];
	v13 =	vshrl.u32 v5, $0x10  }
0x2f0: {  	v14 =	vshrl.u32 v9, $0x10;
	v7 =	vld.idx.msk [tilespmem:v7+s5+$0x0], $0xffff  }
0x2f1: {  	v15 =	vshrl.u32 v8, $0x10;
	v10 =	vld.idx.msk [tilespmem:v10+s5+$0x0], $0xffff  }
0x2f2: {  	v0 =	vand.u32 $0xFFFF, v0;
	v11 =	vld.idx.msk [tilespmem:v11+s5+$0x0], $0xffff;
	(erf) = vrcp.f32 v6  }
0x2f3: {  	v12 =	vld.idx.msk [tilespmem:v12+s5+$0x0], $0xffff  }
0x2f4: {  	v13 =	vld.idx.msk [tilespmem:v13+s5+$0x0], $0xffff  }
0x2f5: {  	v8 =	vand.u32 $0xFFFF, v8;
	v14 =	vld.idx.msk [tilespmem:v14+s5+$0x0], $0xffff;
	(erf) = vrcp.f32 v7  }
0x2f6: {  	v2 =	vand.u32 $0xFFFF, v2;
	v18 =	vld.idx.msk [tilespmem:v15+s5+$0x0], $0xffff;
	(erf) = vrcp.f32 v10  }
0x2f7: {  	v15 =	vld.idx.msk [tilespmem:v0+s5+$0x0], $0xffff;
	v0 =	vand.u32 $0xFFFF, v4;
	(erf) = vrcp.f32 v11  }
0x2f8: {  	v3 =	vand.u32 $0xFFFF, v3;
	v10 =	vld [tilespmem:s4+$0x30];
	(erf) = vrcp.f32 v12  }
0x2f9: {  	v16 =	vld [tilespmem:s4+$0xFFFFFFE0];
	v1 =	vand.u32 $0xFFFF, v1;
	(erf) = vrcp.f32 v13  }
0x2fa: {  	v8 =	vld.idx.msk [tilespmem:v8+s5+$0x0], $0xffff;
	v11 =	vand.u32 $0xFFFF, v5;
	(erf) = vrcp.f32 v14  }
0x2fb: {  	v6 =	vld.idx.msk [tilespmem:v2+s5+$0x0], $0xffff;
	v2 =	vpop (erf);
	(erf) = vrcp.f32 v18  }
0x2fc: {  	v9 =	vand.u32 $0xFFFF, v9;
	v4 =	vld.idx.msk [tilespmem:v0+s5+$0x0], $0xffff  }
0x2fd: {  	v5 =	vld.idx.msk [tilespmem:v3+s5+$0x0], $0xffff;
	v3 =	vmul.f32 v10, v15  }
0x2fe: {  	v7 =	vld.idx.msk [tilespmem:v1+s5+$0x0], $0xffff;
	v12 =	vpop (erf)  }
0x2ff: {  	v1 =	vld.idx.msk [tilespmem:v11+s5+$0x0], $0xffff;
	v3 =	vmul.f32 v3, v2;
	v11 =	vpop (erf)  }
0x300: {  	v15 =	vld [tilespmem:s4+$0xFFFFFFD0];
	v10 =	vpop (erf)  }
0x301: {  	v0 =	vld.idx.msk [tilespmem:v9+s5+$0x0], $0xffff;
	v9 =	vpop (erf)  }
0x302: {  	v13 =	vld [tilespmem:s4+$0xFFFFFFF0];
	v2 =	vpop (erf)  }
0x303: {  	s6 =	stileid.u32;
	s1 =	simm.s32 $0x4F40;
	s0 =	simm.s32 $0x0;
	v14 =	vld [tilespmem:s4+$0x0];
	[tilespmem:s4+$0x30] =	vst v3;
	v3 =	vpop (erf)  }
.LBB2_23:
0x304: {  	v18 =	vld [tilespmem:s1+$0x30];
	s0 =	sadd.s32 $0x80, s0;
	v8 =	vmul.f32 v17, v8;
	v17 =	vpop (erf)  }
0x305: {  	v19 =	vld [tilespmem:s1+$0xFFFFFFD0];
	p0 =	slt.u32 s0, $0x4D80;
	v7 =	vmul.f32 v15, v7  }
0x306: {  	v15 =	vld [tilespmem:s1+$0xFFFFFFE0];
	v8 =	vmul.f32 v8, v17;
	v6 =	vmul.f32 v16, v6  }
0x307: {  	v16 =	vld [tilespmem:s1+$0xFFFFFFF0];
	v7 =	vmul.f32 v7, v12;
	v5 =	vmul.f32 v13, v5  }
0x308: {  	v12 =	vld [tilespmem:s1+$0x0];
	[tilespmem:s4+$0xFFFFFFC0] =	vst v8;
	v6 =	vmul.f32 v6, v11;
	v4 =	vmul.f32 v14, v4  }
0x309: {  	v8 =	vld [tilespmem:s1+$0x10];
	v11 =	vshrl.u32 v18, $0x10;
	[tilespmem:s4+$0xFFFFFFD0] =	vst v7;
	v5 =	vmul.f32 v5, v10  }
0x30a: {  	v7 =	vshrl.u32 v19, $0x10;
	v10 =	vand.u32 $0xFFFF, v19;
	v13 =	vld [tilespmem:s1+$0x20];
	[tilespmem:s4+$0xFFFFFFE0] =	vst v6;
	v4 =	vmul.f32 v4, v9  }
0x30b: {  	v6 =	vld [tilespmem:s1+$0xFFFFFFC0];
	v9 =	vshrl.u32 v15, $0x10;
	v14 =	vand.u32 $0xFFFF, v15;
	[tilespmem:s4+$0xFFFFFFF0] =	vst v5  }
0x30c: {  	v5 =	vshrl.u32 v16, $0x10;
	v15 =	vand.u32 $0xFFFF, v16;
	[tilespmem:s4+$0x0] =	vst v4;
	v4 =	vld [tilespmem:s4+$0x10]  }
0x30d: {  	v16 =	vshrl.u32 v12, $0x10;
	v12 =	vand.u32 $0xFFFF, v12;
	v17 =	vld [tilespmem:s4+$0x20]  }
0x30e: {  	v19 =	vshrl.u32 v8, $0x10;
	v20 =	vand.u32 $0xFFFF, v8;
	v8 =	vld.idx.msk [tilespmem:v11+s5+$0x0], $0xffff  }
0x30f: {  	v7 =	vld.idx.msk [tilespmem:v7+s5+$0x0], $0xffff;
	v11 =	vshrl.u32 v13, $0x10;
	v13 =	vand.u32 $0xFFFF, v13  }
0x310: {  	v21 =	vshrl.u32 v6, $0x10;
	v6 =	vand.u32 $0xFFFF, v6;
	v9 =	vld.idx.msk [tilespmem:v9+s5+$0x0], $0xffff  }
0x311: {  	v18 =	vand.u32 $0xFFFF, v18;
	v5 =	vld.idx.msk [tilespmem:v5+s5+$0x0], $0xffff;
	v1 =	vmul.f32 v4, v1  }
0x312: {  	v4 =	vld.idx.msk [tilespmem:v16+s5+$0x0], $0xffff;
	v0 =	vmul.f32 v17, v0  }
0x313: {  	v16 =	vld.idx.msk [tilespmem:v19+s5+$0x0], $0xffff;
	v1 =	vmul.f32 v1, v2  }
0x314: {  	v2 =	vld.idx.msk [tilespmem:v11+s5+$0x0], $0xffff;
	(erf) = vrcp.f32 v8;
	v0 =	vmul.f32 v0, v3  }
0x315: {  	v3 =	vld.idx.msk [tilespmem:v21+s5+$0x0], $0xffff;
	(erf) = vrcp.f32 v7;
	[tilespmem:s4+$0x10] =	vst v1  }
0x316: {  	v1 =	vld.idx.msk [tilespmem:v18+s5+$0x0], $0xffff;
	(erf) = vrcp.f32 v9;
	[tilespmem:s4+$0x20] =	vst v0;
	s4 =	sadd.s32 $0x80, s4  }
0x317: {  	v0 =	vld [tilespmem:s4+$0x30];
	(erf) = vrcp.f32 v5  }
0x318: {  	v8 =	vld.idx.msk [tilespmem:v6+s5+$0x0], $0xffff;
	(erf) = vrcp.f32 v4  }
0x319: {  	v7 =	vld.idx.msk [tilespmem:v10+s5+$0x0], $0xffff;
	(erf) = vrcp.f32 v16  }
0x31a: {  	v6 =	vld.idx.msk [tilespmem:v14+s5+$0x0], $0xffff;
	(erf) = vrcp.f32 v2  }
0x31b: {  	v5 =	vld.idx.msk [tilespmem:v15+s5+$0x0], $0xffff;
	(erf) = vrcp.f32 v3  }
0x31c: {  	v4 =	vld.idx.msk [tilespmem:v12+s5+$0x0], $0xffff;
	v2 =	vmul.f32 v0, v1  }
0x31d: {  	v1 =	vld.idx.msk [tilespmem:v20+s5+$0x0], $0xffff;
	v3 =	vpop (erf)  }
0x31e: {  	v0 =	vld.idx.msk [tilespmem:v13+s5+$0x0], $0xffff;
	v2 =	vmul.f32 v2, v3;
	v12 =	vpop (erf)  }
.Ltmp11:
0x31f: {  	v17 =	vld [tilespmem:s4+$0xFFFFFFC0];
	v11 =	vpop (erf);
	(pc) =	sbr.rel @p0 .LBB2_23-.Ltmp11, $4  }
0x320: {  	v15 =	vld [tilespmem:s4+$0xFFFFFFD0];
	[tilespmem:s4+$0x30] =	vst v2;
	v10 =	vpop (erf)  }
0x321: {  	v16 =	vld [tilespmem:s4+$0xFFFFFFE0];
	v9 =	vpop (erf)  }
0x322: {  	v13 =	vld [tilespmem:s4+$0xFFFFFFF0];
	v2 =	vpop (erf)  }
0x323: {  	s1 =	sadd.s32 $0x80, s1;
	v14 =	vld [tilespmem:s4+$0x0];
	v3 =	vpop (erf)  }
0x324: {  	v8 =	vmul.f32 v17, v8;
	v62 =	vld [tilespmem:s4+$0x10]  }
0x325: {  	v18 =	vpop (erf);
	v63 =	vld [tilespmem:s4+$0x20];
	v7 =	vmul.f32 v15, v7  }
0x326: {  	v8 =	vmul.f32 v8, v18;
	v6 =	vmul.f32 v16, v6  }
0x327: {  	v7 =	vmul.f32 v7, v12;
	v5 =	vmul.f32 v13, v5  }
0x328: {  	[tilespmem:s4+$0xFFFFFFC0] =	vst v8;
	v6 =	vmul.f32 v6, v11;
	v4 =	vmul.f32 v14, v4  }
0x329: {  	[tilespmem:s4+$0xFFFFFFD0] =	vst v7;
	v5 =	vmul.f32 v5, v10;
	v1 =	vmul.f32 v62, v1  }
0x32a: {  	v0 =	vmul.f32 v63, v0;
	[tilespmem:s4+$0xFFFFFFE0] =	vst v6;
	v4 =	vmul.f32 v4, v9  }
0x32b: {  	[tilespmem:s4+$0xFFFFFFF0] =	vst v5;
	v1 =	vmul.f32 v1, v2  }
0x32c: {  	v0 =	vmul.f32 v0, v3;
	[tilespmem:s4+$0x0] =	vst v4  }
0x32d: {  	s0 =	simm.s32 $0x4DF0;
	[tilespmem:s4+$0x10] =	vst v1  }
0x32e: {  	s1 =	simm.s32 $0x4E00;
	s2 =	simm.s32 $0x9C80;
	s3 =	simm.s32 $0xEB80;
	[tilespmem:s4+$0x20] =	vst v0  }
.LBB2_25:
0x32f: {  	v0 =	vld [tilespmem:s2+$0x0];
	_ =	sdelay $0x4  }
0x330: {  	v1 =	vshrl.u32 v0, $0x10;
	_ =	sdelay $0x4  }
0x331: {  	v1 =	vld.idx.msk [tilespmem:v1+s3+$0x0], $0xffff;
	_ =	sdelay $0x2  }
0x332: {  	v0 =	vand.u32 $0xFFFF, v0;
	_ =	sdelay $0x1  }
0x333: {  	(erf) = vrcp.f32 v1;
	_ =	sdelay $0x1  }
0x334: {  	v62 =	vld [tilespmem:s1+$0x0]  }
0x335: {  	v0 =	vld.idx.msk [tilespmem:v0+s3+$0x0], $0xffff;
	_ =	sdelay $0x2  }
0x336: {  	s0 =	sadd.s32 $0x10, s0  }
0x337: {  	p0 =	slt.u32 s0, $0x4E10  }
.Ltmp12:
0x338: {  	v0 =	vmul.f32 v62, v0;
	(pc) =	sbr.rel @p0 .LBB2_25-.Ltmp12, $3  }
0x339: {  	v63 =	vpop (erf)  }
0x33a: {  	v0 =	vmul.f32 v0, v63;
	_ =	sdelay $0x1  }
0x33b: {  	s2 =	sadd.s32 $0x10, s2;
	[tilespmem:s1+$0x0] =	vst v0;
	s1 =	sadd.s32 $0x10, s1  }
0x33c: {  	s0 =	rddreg [dreg:$0x2]  }
0x33d: {  	s1 =	rddreg [dreg:$0xb]  }
0x33e: {  	s30 =	simm.s32 $0x0;
	s31 =	simm.s32 $0x1;
	s0 =	sadd.s32 s0, s1  }
0x33f: {  	[hbm4b:s0+s30] =	stream.linear.scatter [tilespmem:s30], [sflag:$0x1], $0x4E20, $0x38;
	[tilespmem:$0x1E080] =	vst v63  }
0x340: {  	_ =	swait.ge [sflag:s31], $0x4E20  }
0x341: {  	[sflag:s31] =	ssyncset.done $0x0  }
0x342: {  	[sflag:s31] =	ssyncadd.s32 $0xFFFFB1E0  }
0x343: {  	_ =	sfence.sel $0x180000  }
0x344: {  	[bflag:$0x0] =	sbarrier.arrive $0xFFFF  }
0x345: {  	_ =	strace $0x90000047  }
0x346: {  	[bflag:$0x2] =	sbarrier.arrive $0xFFFF  }
0x347: {  	p0 =	sne.s32 s6, $0x0;
	s0 =	rddreg [dreg:$0x5]  }
0x348: {  	s0 =	sadd.s32 @!p0 $0x100000, s0  }
0x349: {  	[sflag:s0] =	ssyncadd.tile.s32 @!p0 $0x1;
	_ =	shalt  }
.Lfunc_end2:
_tile_overlayer_lowered:
.L_overlay_start_2:
0x34a: {  	(tag) =	ssettag $0x2  }
0x34b: {  	s0 =	rddreg [dreg:$0x0];
	s2 =	stileid.u32  }
0x34c: {  	s1 =	rddreg [dreg:$0x1];
	p0 =	sne.s32 s2, $0x0  }
0x34d: {  	s3 =	rddreg [dreg:$0x2];
	[bflag:$0x3] =	sbarrier.arrive $0xFFFF;
	s2 =	simm.s32 @!p0 $0x1C01  }
0x34e: {  	[timem:s3], [sflag:s2] =	dma.local @!p0 [hbm:s0], s1  }
0x34f: {  	s0 =	simm.s32 @!p0 $0x1  }
0x350: {  	_ =	swait.ge @!p0 [sflag:s0], s1  }
0x351: {  	s1 =	ssub.s32 @!p0 $0x0, s1;
	[sflag:s0] =	ssyncset.done @!p0 $0x0  }
0x352: {  	[sflag:s0] =	ssyncadd.s32 @!p0 s1  }
0x353: {  	[bflag:$0x3] =	sbarrier.arrive $0xFFFF  }
0x354: {  	_ =	shalt  }

</sc_bundles>
